<compile_context>
chip_gen: v7x
topology: tpu7x:2x2x1
jax: 0.10.2.dev20260603
libtpu: 0.0.44.dev20260713+nightly
codegen_flags: <defaults>
</compile_context>

<pallas_src>
import functools

import jax
import jax.numpy as jnp
from jax import lax
from jax.experimental import pallas as pl
from jax.experimental.pallas import tpu as pltpu
from jax.experimental.pallas import tpu_sc as plsc

N = 10000
E = 320000
D = 128
NC = 2
NS = 16
EPT = E // NS
K = 100
NCHUNK = EPT // K
G = 10
NG = NCHUNK // G
STRIPE = 640
STRIPE_LAST = N - (NS - 1) * STRIPE

_MESH = plsc.VectorSubcoreMesh(core_axis_name="c", subcore_axis_name="s")


@functools.partial(
    pl.kernel,
    out_type=jax.ShapeDtypeStruct((NC * NS * N,), jnp.float32),
    mesh=_MESH,
    scratch_types=[
        pltpu.VMEM((EPT,), jnp.int32),
        pltpu.VMEM((N,), jnp.float32),
    ],
    compiler_params=pltpu.CompilerParams(needs_layout_passes=False),
)
def _deg_kernel(dst_hbm, deg_out, idx_v, deg_local):
    c = lax.axis_index("c")
    s = lax.axis_index("s")
    wid = c * NS + s

    def zbody(i, carry):
        deg_local[pl.ds(i * 16, 16)] = jnp.zeros((16,), jnp.float32)
        return carry

    lax.fori_loop(0, N // 16, zbody, 0)

    pltpu.sync_copy(dst_hbm.at[pl.ds(wid * EPT, EPT)], idx_v)
    ones16 = jnp.full((16,), 1.0, dtype=jnp.float32)

    def body(i, carry):
        idx16 = idx_v[pl.ds(i * 16, 16)]
        plsc.addupdate_scatter(deg_local, [idx16], ones16)
        return carry

    lax.fori_loop(0, EPT // 16, body, 0)
    pltpu.sync_copy(deg_local, deg_out.at[pl.ds(wid * N, N)])


@functools.partial(
    pl.kernel,
    out_type=jax.ShapeDtypeStruct((NC * N, D), jnp.float32),
    mesh=_MESH,
    scratch_types=[
        pltpu.VMEM((2, G, K), jnp.int32),
        pltpu.VMEM((2, G, K), jnp.int32),
        pltpu.VMEM((K, D), jnp.float32),
        pltpu.VMEM((K, D), jnp.float32),
        pltpu.VMEM_SHARED((N, D), jnp.float32),
        pltpu.SemaphoreType.DMA,
        pltpu.SemaphoreType.DMA,
        pltpu.SemaphoreType.DMA,
    ],
    compiler_params=pltpu.CompilerParams(needs_layout_passes=False),
)
def _scatter_kernel(z_hbm, src_hbm, dst_hbm, acc_out, src_v, dst_v, gbuf0,
                    gbuf1, acc_sp, sg0, sg1, si):
    c = lax.axis_index("c")
    s = lax.axis_index("s")
    wid = c * NS + s

    @pl.when(s < NS - 1)
    def _():
        pltpu.sync_copy(z_hbm.at[pl.ds(c * N + s * STRIPE, STRIPE)],
                        acc_sp.at[pl.ds(s * STRIPE, STRIPE)])

    @pl.when(s == NS - 1)
    def _():
        pltpu.sync_copy(
            z_hbm.at[pl.ds(c * N + (NS - 1) * STRIPE, STRIPE_LAST)],
            acc_sp.at[pl.ds((NS - 1) * STRIPE, STRIPE_LAST)])

    plsc.subcore_barrier()

    pltpu.sync_copy(src_hbm.at[wid, 0], src_v.at[0])
    pltpu.sync_copy(dst_hbm.at[wid, 0], dst_v.at[0])

    def group_body(gi, carry):
        b = lax.rem(gi, 2)
        sv = src_v.at[b]
        dv = dst_v.at[b]

        @pl.when(gi < NG - 1)
        def _():
            pltpu.async_copy(src_hbm.at[wid, gi + 1], src_v.at[1 - b], si)
            pltpu.async_copy(dst_hbm.at[wid, gi + 1], dst_v.at[1 - b], si)

        pltpu.async_copy(z_hbm.at[sv.at[0]], gbuf0, sg0)

        def body(p, carry2):
            j0 = 2 * p
            pltpu.async_copy(z_hbm.at[sv.at[j0 + 1]], gbuf1, sg1)
            pltpu.make_async_copy(z_hbm.at[sv.at[j0]], gbuf0, sg0).wait()
            pltpu.sync_copy(gbuf0, acc_sp.at[dv.at[j0]], add=True)

            @pl.when(p < G // 2 - 1)
            def _():
                pltpu.async_copy(z_hbm.at[sv.at[j0 + 2]], gbuf0, sg0)

            pltpu.make_async_copy(z_hbm.at[sv.at[j0 + 1]], gbuf1,
                                  sg1).wait()
            pltpu.sync_copy(gbuf1, acc_sp.at[dv.at[j0 + 1]], add=True)
            return carry2

        lax.fori_loop(0, G // 2, body, 0)

        @pl.when(gi < NG - 1)
        def _():
            pltpu.make_async_copy(src_hbm.at[wid, gi + 1], src_v.at[1 - b],
                                  si).wait()
            pltpu.make_async_copy(dst_hbm.at[wid, gi + 1], dst_v.at[1 - b],
                                  si).wait()

        return carry

    lax.fori_loop(0, NG, group_body, 0)
    plsc.subcore_barrier()

    @pl.when(s < NS - 1)
    def _():
        pltpu.sync_copy(acc_sp.at[pl.ds(s * STRIPE, STRIPE)],
                        acc_out.at[pl.ds(c * N + s * STRIPE, STRIPE)])

    @pl.when(s == NS - 1)
    def _():
        pltpu.sync_copy(
            acc_sp.at[pl.ds((NS - 1) * STRIPE, STRIPE_LAST)],
            acc_out.at[pl.ds(c * N + (NS - 1) * STRIPE, STRIPE_LAST)])


def _z1_body(x_ref, w_ref, degs_ref, z_ref, dinv_ref):
    d = jnp.sum(degs_ref[0], axis=0, keepdims=True)
    dinv_col = jnp.transpose(lax.rsqrt(d + 1.0))
    dinv_ref[0] = dinv_col
    xw = jnp.dot(x_ref[0], w_ref[...], preferred_element_type=jnp.float32)
    z_ref[0] = xw * dinv_col


def _z2_body(acc_ref, dinv_ref, b1_ref, w2_ref, z2_ref):
    dinv = dinv_ref[0]
    h = jnp.maximum(acc_ref[0] * dinv + b1_ref[...], 0.0)
    z2_ref[0] = jnp.dot(h, w2_ref[...],
                        preferred_element_type=jnp.float32) * dinv


def _out_body(acc_ref, dinv_ref, b2_ref, fcw_ref, fcb_ref, o_ref):
    g = jnp.maximum(acc_ref[0] * dinv_ref[0] + b2_ref[...], 0.0)
    pooled = jnp.sum(g, axis=0, keepdims=True) * (1.0 / N)
    o_ref[0] = jnp.dot(pooled, fcw_ref[...],
                       preferred_element_type=jnp.float32) + fcb_ref[...]


def _b_spec(shape):
    nd = len(shape)
    return pl.BlockSpec(shape, lambda b: (0,) * nd)


def _row_spec(shape):
    nd = len(shape)
    return pl.BlockSpec((1,) + shape[1:], lambda b: (b,) + (0,) * (nd - 1))


def kernel(x1, edge_index1, x2, edge_index2, W1, b1, W2, b2, fcW, fcb):
    src = jnp.concatenate([edge_index1[0], edge_index2[0] + N])
    dst = jnp.concatenate([edge_index1[1], edge_index2[1]])
    src3 = src.reshape(NC * NS, NG, G, K)
    dst3 = dst.reshape(NC * NS, NG, G, K)
    X = jnp.stack([x1, x2])
    b1r = b1.reshape(1, D)
    b2r = b2.reshape(1, D)
    fcbr = fcb.reshape(1, D)

    degs = _deg_kernel(dst).reshape(NC, NS, N)

    z1, dinv_col = pl.pallas_call(
        _z1_body,
        grid=(NC,),
        in_specs=[_row_spec((NC, N, D)), _b_spec((D, D)),
                  _row_spec((NC, NS, N))],
        out_specs=[_row_spec((NC, N, D)), _row_spec((NC, N, 1))],
        out_shape=[jax.ShapeDtypeStruct((NC, N, D), jnp.float32),
                   jax.ShapeDtypeStruct((NC, N, 1), jnp.float32)],
    )(X, W1, degs)

    acc1 = _scatter_kernel(z1.reshape(NC * N, D), src3, dst3)

    z2 = pl.pallas_call(
        _z2_body,
        grid=(NC,),
        in_specs=[_row_spec((NC, N, D)), _row_spec((NC, N, 1)),
                  _b_spec((1, D)), _b_spec((D, D))],
        out_specs=_row_spec((NC, N, D)),
        out_shape=jax.ShapeDtypeStruct((NC, N, D), jnp.float32),
    )(acc1.reshape(NC, N, D), dinv_col, b1r, W2)

    acc2 = _scatter_kernel(z2.reshape(NC * N, D), src3, dst3)

    out = pl.pallas_call(
        _out_body,
        grid=(NC,),
        in_specs=[_row_spec((NC, N, D)), _row_spec((NC, N, 1)),
                  _b_spec((1, D)), _b_spec((D, D)), _b_spec((1, D))],
        out_specs=_row_spec((NC, 1, D)),
        out_shape=jax.ShapeDtypeStruct((NC, 1, D), jnp.float32),
    )(acc2.reshape(NC, N, D), dinv_col, b2r, fcW, fcbr)

    return (out[0, 0], out[1, 0])

# --- scband reference (transcript-rebuilt; emitter-appended) ---
"""Pipeline reference for scband-siamese-gnn-67173288509629 (READ-ONLY COPY).

The authoritative reference and input builder live on the scoring server;
editing this copy changes nothing except your own understanding.
"""

import jax, jax.numpy as jnp
import numpy as np

N = 10000
E = 320000
D_IN = 128
D_H = 128


def gcn_conv(x, edge_index, W, b):
    n = x.shape[0]
    src = edge_index[0]
    dst = edge_index[1]
    # add self loops (PyG GCNConv default)
    loop = jnp.arange(n, dtype=src.dtype)
    src = jnp.concatenate([src, loop])
    dst = jnp.concatenate([dst, loop])
    # linear transform first
    xw = x @ W
    # symmetric normalization D^-1/2 A_hat D^-1/2
    deg = jnp.zeros((n,), dtype=x.dtype).at[dst].add(1.0)
    dinv = jnp.where(deg > 0, jax.lax.rsqrt(deg), 0.0)
    norm = dinv[src] * dinv[dst]
    msg = xw[src] * norm[:, None]
    out = jnp.zeros_like(xw).at[dst].add(msg)
    return out + b


def forward_one(x, edge_index, W1, b1, W2, b2, fcW, fcb):
    x = jax.nn.relu(gcn_conv(x, edge_index, W1, b1))
    x = jax.nn.relu(gcn_conv(x, edge_index, W2, b2))
    x = jnp.mean(x, axis=0)
    return x @ fcW + fcb


def setup_inputs(seed: int = 0) -> dict:
    key = jax.random.key(seed)
    ks = [jax.random.fold_in(key, i) for i in range(12)]
    x1 = jax.random.normal(ks[0], (N, D_IN), dtype=jnp.float32)
    x2 = jax.random.normal(ks[1], (N, D_IN), dtype=jnp.float32)
    edge_index1 = jax.random.randint(ks[2], (2, E), 0, N, dtype=jnp.int64) if jax.config.jax_enable_x64 else jax.random.randint(ks[2], (2, E), 0, N).astype(jnp.int32)
    edge_index2 = jax.random.randint(ks[3], (2, E), 0, N).astype(edge_index1.dtype)
    s1 = 1.0 / np.sqrt(D_IN)
    s2 = 1.0 / np.sqrt(D_H)
    W1 = jax.random.uniform(ks[4], (D_IN, D_H), jnp.float32, -s1, s1)
    b1 = jax.random.uniform(ks[5], (D_H,), jnp.float32, -s1, s1)
    W2 = jax.random.uniform(ks[6], (D_H, D_H), jnp.float32, -s2, s2)
    b2 = jax.random.uniform(ks[7], (D_H,), jnp.float32, -s2, s2)
    fcW = jax.random.uniform(ks[8], (D_H, D_H), jnp.float32, -s2, s2)
    fcb = jax.random.uniform(ks[9], (D_H,), jnp.float32, -s2, s2)
    return {"x1": x1, "edge_index1": edge_index1, "x2": x2, "edge_index2": edge_index2,
            "W1": W1, "b1": b1, "W2": W2, "b2": b2, "fcW": fcW, "fcb": fcb}


def reference(x1, edge_index1, x2, edge_index2, W1, b1, W2, b2, fcW, fcb):
    out1 = forward_one(x1, edge_index1, W1, b1, W2, b2, fcW, fcb)
    out2 = forward_one(x2, edge_index2, W1, b1, W2, b2, fcW, fcb)
    return (out1, out2)

if __name__ == "__main__":
    import jax
    _d = setup_inputs()
    print(jax.jit(kernel)(*tuple(_d.values())))

</pallas_src>

<mosaic_0001>
#map = affine_map<(d0, d1) -> (0)>
module attributes {stable_mosaic.version = 14 : i64} {
  func.func @_deg_kernel(%arg0: i32, %arg1: i32, %arg2: memref<640000xi32, #tpu.memory_space<hbm>>, %arg3: memref<320000xf32, #tpu.memory_space<hbm>>, %arg4: memref<20000xi32, #tpu.memory_space<vmem>>, %arg5: memref<10000xf32, #tpu.memory_space<vmem>>) attributes {dimension_semantics = [#tpu.dimension_semantics<core_parallel>, #tpu.dimension_semantics<subcore_parallel>], iteration_bounds = array<i64: 2, 16>, scalar_prefetch = 0 : i64, scratch_operands = 2 : i64, tpu.core_type = #tpu.core_type<sc_vector_subcore>, window_params = [{transform_indices = #map}, {transform_indices = #map}]} {
    %mul3A = arith.constant 16 : i32
    %mul3A_0 = arith.muli %arg0, %mul3A : i32
    %add3A = arith.addi %mul3A_0, %arg1 : i32
    %scan3A = arith.constant 0 : i32
    %scan3A_1 = arith.constant 0 : i32
    %scan3A_2 = arith.constant 625 : i32
    %scan3A_3 = arith.addi %scan3A_1, %scan3A_2 : i32
    %scan3A_4 = arith.constant 1 : i32
    scf.for %scan3A_17 = %scan3A_1 to %scan3A_3 step %scan3A_4  : i32 {
      %broadcast_in_dim3A_18 = arith.constant 0.000000e+00 : f32
      %broadcast_in_dim3A_19 = vector.broadcast %broadcast_in_dim3A_18 : f32 to vector<16xf32>
      %mul3A_20 = arith.constant 16 : i32
      %mul3A_21 = arith.muli %scan3A_17, %mul3A_20 : i32
      %swap3A = arith.index_cast %mul3A_21 : i32 to index
      %swap3A_22 = tpu.vector_load %arg5[%swap3A] {strides = array<i32>} : memref<10000xf32, #tpu.memory_space<vmem>>, vector<16xf32>,
      tpu.vector_store %arg5[%swap3A], %broadcast_in_dim3A_19 {strides = array<i32>} : memref<10000xf32, #tpu.memory_space<vmem>>, vector<16xf32>,
    }
    %scan3A_5 = arith.constant 625 : i32
    %mul3A_6 = arith.constant 20000 : i32
    %mul3A_7 = arith.muli %add3A, %mul3A_6 : i32
    "tpu.region"() ({
      %run_scoped3A = tpu.sem_alloc : memref<!tpu.dma_semaphore, #tpu.memory_space<semaphore_mem>>
      %dma_start3A = tpu.memref_slice %arg2[%mul3A_7] : memref<640000xi32, #tpu.memory_space<hbm>> -> memref<20000xi32, #tpu.memory_space<hbm>>
      %dma_start3A_17 = tpu.memref_slice %arg2[%mul3A_7] : memref<640000xi32, #tpu.memory_space<hbm>> -> memref<20000xi32, #tpu.memory_space<hbm>>
      tpu.enqueue_dma source(%dma_start3A_17 : memref<20000xi32, #tpu.memory_space<hbm>>) target(%arg4 : memref<20000xi32, #tpu.memory_space<vmem>>) target_semaphore(%run_scoped3A : memref<!tpu.dma_semaphore, #tpu.memory_space<semaphore_mem>>)
      %dma_wait3A = tpu.memref_slice %arg2[%mul3A_7] : memref<640000xi32, #tpu.memory_space<hbm>> -> memref<20000xi32, #tpu.memory_space<hbm>>
      %dma_wait3A_18 = tpu.memref_slice %arg2[%mul3A_7] : memref<640000xi32, #tpu.memory_space<hbm>> -> memref<20000xi32, #tpu.memory_space<hbm>>
      tpu.wait_dma2 semaphore(%run_scoped3A : memref<!tpu.dma_semaphore, #tpu.memory_space<semaphore_mem>>) src(%dma_wait3A_18 : memref<20000xi32, #tpu.memory_space<hbm>>) dst(%arg4 : memref<20000xi32, #tpu.memory_space<vmem>>)
      tpu.yield
    }) : () -> ()
    %broadcast_in_dim3A = arith.constant 1.000000e+00 : f32
    %broadcast_in_dim3A_8 = vector.broadcast %broadcast_in_dim3A : f32 to vector<16xf32>
    %scan3A_9 = arith.constant 0 : i32
    %scan3A_10 = arith.constant 0 : i32
    %scan3A_11 = arith.constant 1250 : i32
    %scan3A_12 = arith.addi %scan3A_10, %scan3A_11 : i32
    %scan3A_13 = arith.constant 1 : i32
    scf.for %scan3A_17 = %scan3A_10 to %scan3A_12 step %scan3A_13  : i32 {
      %mul3A_18 = arith.constant 16 : i32
      %mul3A_19 = arith.muli %scan3A_17, %mul3A_18 : i32
      %get3A = arith.index_cast %mul3A_19 : i32 to index
      %get3A_20 = tpu.vector_load %arg4[%get3A] {strides = array<i32>} : memref<20000xi32, #tpu.memory_space<vmem>>, vector<16xi32>,
      tpu.vector_store_idx %arg5[%get3A_20], %broadcast_in_dim3A_8 {add = true} : memref<10000xf32, #tpu.memory_space<vmem>>[vector<16xi32>], vector<16xf32>,
    }
    %scan3A_14 = arith.constant 1250 : i32
    %mul3A_15 = arith.constant 10000 : i32
    %mul3A_16 = arith.muli %add3A, %mul3A_15 : i32
    "tpu.region"() ({
      %run_scoped3A = tpu.sem_alloc : memref<!tpu.dma_semaphore, #tpu.memory_space<semaphore_mem>>
      %dma_start3A = tpu.memref_slice %arg3[%mul3A_16] : memref<320000xf32, #tpu.memory_space<hbm>> -> memref<10000xf32, #tpu.memory_space<hbm>>
      %dma_start3A_17 = tpu.memref_slice %arg3[%mul3A_16] : memref<320000xf32, #tpu.memory_space<hbm>> -> memref<10000xf32, #tpu.memory_space<hbm>>
      tpu.enqueue_dma source(%arg5 : memref<10000xf32, #tpu.memory_space<vmem>>) target(%dma_start3A_17 : memref<10000xf32, #tpu.memory_space<hbm>>) target_semaphore(%run_scoped3A : memref<!tpu.dma_semaphore, #tpu.memory_space<semaphore_mem>>)
      %dma_wait3A = tpu.memref_slice %arg3[%mul3A_16] : memref<320000xf32, #tpu.memory_space<hbm>> -> memref<10000xf32, #tpu.memory_space<hbm>>
      %dma_wait3A_18 = tpu.memref_slice %arg3[%mul3A_16] : memref<320000xf32, #tpu.memory_space<hbm>> -> memref<10000xf32, #tpu.memory_space<hbm>>
      tpu.wait_dma2 semaphore(%run_scoped3A : memref<!tpu.dma_semaphore, #tpu.memory_space<semaphore_mem>>) src(%arg5 : memref<10000xf32, #tpu.memory_space<vmem>>) dst(%dma_wait3A_18 : memref<10000xf32, #tpu.memory_space<hbm>>)
      tpu.yield
    }) : () -> ()
    return
  }
}

#map = affine_map<(d0, d1) -> (0, 0)>
#map1 = affine_map<(d0, d1) -> (0, 0, 0, 0)>
module attributes {stable_mosaic.version = 14 : i64} {
  func.func @_scatter_kernel(%arg0: i32, %arg1: i32, %arg2: memref<20000x128xf32, #tpu.memory_space<hbm>>, %arg3: memref<32x20x10x100xi32, #tpu.memory_space<hbm>>, %arg4: memref<32x20x10x100xi32, #tpu.memory_space<hbm>>, %arg5: memref<20000x128xf32, #tpu.memory_space<hbm>>, %arg6: memref<2x10x100xi32, #tpu.memory_space<vmem>>, %arg7: memref<2x10x100xi32, #tpu.memory_space<vmem>>, %arg8: memref<100x128xf32, #tpu.memory_space<vmem>>, %arg9: memref<100x128xf32, #tpu.memory_space<vmem>>, %arg10: memref<10000x128xf32, #tpu.memory_space<vmem_shared>>, %arg11: memref<!tpu.dma_semaphore, #tpu.memory_space<semaphore_mem>>, %arg12: memref<!tpu.dma_semaphore, #tpu.memory_space<semaphore_mem>>, %arg13: memref<!tpu.dma_semaphore, #tpu.memory_space<semaphore_mem>>) attributes {dimension_semantics = [#tpu.dimension_semantics<core_parallel>, #tpu.dimension_semantics<subcore_parallel>], iteration_bounds = array<i64: 2, 16>, scalar_prefetch = 0 : i64, scratch_operands = 8 : i64, tpu.core_type = #tpu.core_type<sc_vector_subcore>, window_params = [{transform_indices = #map}, {transform_indices = #map1}, {transform_indices = #map1}, {transform_indices = #map}]} {
    %mul3A = arith.constant 16 : i32
    %mul3A_0 = arith.muli %arg0, %mul3A : i32
    %add3A = arith.addi %mul3A_0, %arg1 : i32
    %lt3A = arith.constant 15 : i32
    %lt3A_1 = arith.cmpi slt, %arg1, %lt3A : i32
    %convert_element_type3A = arith.extui %lt3A_1 : i1 to i32
    %cond3A = arith.constant 0 : i32
    %cond3A_2 = arith.cmpi ne, %convert_element_type3A, %cond3A : i32
    scf.if %cond3A_2 {
      %mul3A_26 = arith.constant 10000 : i32
      %mul3A_27 = arith.muli %arg0, %mul3A_26 : i32
      %mul3A_28 = arith.constant 640 : i32
      %mul3A_29 = arith.muli %arg1, %mul3A_28 : i32
      %add3A_30 = arith.addi %mul3A_27, %mul3A_29 : i32
      %mul3A_31 = arith.constant 640 : i32
      %mul3A_32 = arith.muli %arg1, %mul3A_31 : i32
      "tpu.region"() ({
        %run_scoped3A_33 = tpu.sem_alloc : memref<!tpu.dma_semaphore, #tpu.memory_space<semaphore_mem>>
        %dma_start3A = arith.constant 0 : i32
        %dma_start3A_34 = tpu.memref_slice %arg10[%mul3A_32, %dma_start3A] : memref<10000x128xf32, #tpu.memory_space<vmem_shared>> -> memref<640x128xf32, #tpu.memory_space<vmem_shared>>
        %dma_start3A_35 = arith.constant 0 : i32
        %dma_start3A_36 = tpu.memref_slice %arg2[%add3A_30, %dma_start3A_35] : memref<20000x128xf32, #tpu.memory_space<hbm>> -> memref<640x128xf32, #tpu.memory_space<hbm>>
        tpu.enqueue_dma source(%dma_start3A_36 : memref<640x128xf32, #tpu.memory_space<hbm>>) target(%dma_start3A_34 : memref<640x128xf32, #tpu.memory_space<vmem_shared>>) target_semaphore(%run_scoped3A_33 : memref<!tpu.dma_semaphore, #tpu.memory_space<semaphore_mem>>)
        %dma_wait3A = arith.constant 0 : i32
        %dma_wait3A_37 = tpu.memref_slice %arg10[%mul3A_32, %dma_wait3A] : memref<10000x128xf32, #tpu.memory_space<vmem_shared>> -> memref<640x128xf32, #tpu.memory_space<vmem_shared>>
        %dma_wait3A_38 = arith.constant 0 : i32
        %dma_wait3A_39 = tpu.memref_slice %arg2[%add3A_30, %dma_wait3A_38] : memref<20000x128xf32, #tpu.memory_space<hbm>> -> memref<640x128xf32, #tpu.memory_space<hbm>>
        tpu.wait_dma2 semaphore(%run_scoped3A_33 : memref<!tpu.dma_semaphore, #tpu.memory_space<semaphore_mem>>) src(%dma_wait3A_39 : memref<640x128xf32, #tpu.memory_space<hbm>>) dst(%dma_wait3A_37 : memref<640x128xf32, #tpu.memory_space<vmem_shared>>)
        tpu.yield
      }) : () -> ()
    } else {
    }
    %eq3A = arith.constant 15 : i32
    %eq3A_3 = arith.cmpi eq, %arg1, %eq3A : i32
    %convert_element_type3A_4 = arith.extui %eq3A_3 : i1 to i32
    %cond3A_5 = arith.constant 0 : i32
    %cond3A_6 = arith.cmpi ne, %convert_element_type3A_4, %cond3A_5 : i32
    scf.if %cond3A_6 {
      %mul3A_26 = arith.constant 10000 : i32
      %mul3A_27 = arith.muli %arg0, %mul3A_26 : i32
      %add3A_28 = arith.constant 9600 : i32
      %add3A_29 = arith.addi %mul3A_27, %add3A_28 : i32
      "tpu.region"() ({
        %run_scoped3A_30 = tpu.sem_alloc : memref<!tpu.dma_semaphore, #tpu.memory_space<semaphore_mem>>
        %dma_start3A = arith.constant 9600 : i32
        %dma_start3A_31 = arith.constant 0 : i32
        %dma_start3A_32 = tpu.memref_slice %arg10[%dma_start3A, %dma_start3A_31] : memref<10000x128xf32, #tpu.memory_space<vmem_shared>> -> memref<400x128xf32, #tpu.memory_space<vmem_shared>>
        %dma_start3A_33 = arith.constant 0 : i32
        %dma_start3A_34 = tpu.memref_slice %arg2[%add3A_29, %dma_start3A_33] : memref<20000x128xf32, #tpu.memory_space<hbm>> -> memref<400x128xf32, #tpu.memory_space<hbm>>
        tpu.enqueue_dma source(%dma_start3A_34 : memref<400x128xf32, #tpu.memory_space<hbm>>) target(%dma_start3A_32 : memref<400x128xf32, #tpu.memory_space<vmem_shared>>) target_semaphore(%run_scoped3A_30 : memref<!tpu.dma_semaphore, #tpu.memory_space<semaphore_mem>>)
        %dma_wait3A = arith.constant 9600 : i32
        %dma_wait3A_35 = arith.constant 0 : i32
        %dma_wait3A_36 = tpu.memref_slice %arg10[%dma_wait3A, %dma_wait3A_35] : memref<10000x128xf32, #tpu.memory_space<vmem_shared>> -> memref<400x128xf32, #tpu.memory_space<vmem_shared>>
        %dma_wait3A_37 = arith.constant 0 : i32
        %dma_wait3A_38 = tpu.memref_slice %arg2[%add3A_29, %dma_wait3A_37] : memref<20000x128xf32, #tpu.memory_space<hbm>> -> memref<400x128xf32, #tpu.memory_space<hbm>>
        tpu.wait_dma2 semaphore(%run_scoped3A_30 : memref<!tpu.dma_semaphore, #tpu.memory_space<semaphore_mem>>) src(%dma_wait3A_38 : memref<400x128xf32, #tpu.memory_space<hbm>>) dst(%dma_wait3A_36 : memref<400x128xf32, #tpu.memory_space<vmem_shared>>)
        tpu.yield
      }) : () -> ()
    } else {
    }
    %barrier3A = arith.constant 0 : index
    tpu.barrier barrier_id(%barrier3A)
    %run_scoped3A = arith.constant 0 : i32
    %run_scoped3A_7 = arith.constant 0 : i32
    "tpu.region"() ({
      %run_scoped3A_26 = tpu.sem_alloc : memref<!tpu.dma_semaphore, #tpu.memory_space<semaphore_mem>>
      %dma_start3A = arith.constant 0 : i32
      %dma_start3A_27 = arith.constant 0 : i32
      %dma_start3A_28 = tpu.memref_slice %arg6[%run_scoped3A_7, %dma_start3A, %dma_start3A_27] : memref<2x10x100xi32, #tpu.memory_space<vmem>> -> memref<1x10x100xi32, #tpu.memory_space<vmem>>
      %dma_start3A_29 = tpu.memref_squeeze %dma_start3A_28 : memref<1x10x100xi32, #tpu.memory_space<vmem>> -> memref<10x100xi32, #tpu.memory_space<vmem>>
      %dma_start3A_30 = arith.constant 0 : i32
      %dma_start3A_31 = arith.constant 0 : i32
      %dma_start3A_32 = tpu.memref_slice %arg3[%add3A, %run_scoped3A, %dma_start3A_30, %dma_start3A_31] : memref<32x20x10x100xi32, #tpu.memory_space<hbm>> -> memref<1x1x10x100xi32, #tpu.memory_space<hbm>>
      %dma_start3A_33 = tpu.memref_squeeze %dma_start3A_32 : memref<1x1x10x100xi32, #tpu.memory_space<hbm>> -> memref<10x100xi32, #tpu.memory_space<hbm>>
      %dma_start3A_34 = arith.constant 0 : i32
      %dma_start3A_35 = arith.constant 0 : i32
      %dma_start3A_36 = tpu.memref_slice %arg6[%run_scoped3A_7, %dma_start3A_34, %dma_start3A_35] : memref<2x10x100xi32, #tpu.memory_space<vmem>> -> memref<1x10x100xi32, #tpu.memory_space<vmem>>
      %dma_start3A_37 = tpu.memref_squeeze %dma_start3A_36 : memref<1x10x100xi32, #tpu.memory_space<vmem>> -> memref<10x100xi32, #tpu.memory_space<vmem>>
      %dma_start3A_38 = arith.constant 0 : i32
      %dma_start3A_39 = arith.constant 0 : i32
      %dma_start3A_40 = tpu.memref_slice %arg3[%add3A, %run_scoped3A, %dma_start3A_38, %dma_start3A_39] : memref<32x20x10x100xi32, #tpu.memory_space<hbm>> -> memref<1x1x10x100xi32, #tpu.memory_space<hbm>>
      %dma_start3A_41 = tpu.memref_squeeze %dma_start3A_40 : memref<1x1x10x100xi32, #tpu.memory_space<hbm>> -> memref<10x100xi32, #tpu.memory_space<hbm>>
      tpu.enqueue_dma source(%dma_start3A_41 : memref<10x100xi32, #tpu.memory_space<hbm>>) target(%dma_start3A_37 : memref<10x100xi32, #tpu.memory_space<vmem>>) target_semaphore(%run_scoped3A_26 : memref<!tpu.dma_semaphore, #tpu.memory_space<semaphore_mem>>)
      %dma_wait3A = arith.constant 0 : i32
      %dma_wait3A_42 = arith.constant 0 : i32
      %dma_wait3A_43 = tpu.memref_slice %arg6[%run_scoped3A_7, %dma_wait3A, %dma_wait3A_42] : memref<2x10x100xi32, #tpu.memory_space<vmem>> -> memref<1x10x100xi32, #tpu.memory_space<vmem>>
      %dma_wait3A_44 = tpu.memref_squeeze %dma_wait3A_43 : memref<1x10x100xi32, #tpu.memory_space<vmem>> -> memref<10x100xi32, #tpu.memory_space<vmem>>
      %dma_wait3A_45 = arith.constant 0 : i32
      %dma_wait3A_46 = arith.constant 0 : i32
      %dma_wait3A_47 = tpu.memref_slice %arg3[%add3A, %run_scoped3A, %dma_wait3A_45, %dma_wait3A_46] : memref<32x20x10x100xi32, #tpu.memory_space<hbm>> -> memref<1x1x10x100xi32, #tpu.memory_space<hbm>>
      %dma_wait3A_48 = tpu.memref_squeeze %dma_wait3A_47 : memref<1x1x10x100xi32, #tpu.memory_space<hbm>> -> memref<10x100xi32, #tpu.memory_space<hbm>>
      %dma_wait3A_49 = arith.constant 0 : i32
      %dma_wait3A_50 = arith.constant 0 : i32
      %dma_wait3A_51 = tpu.memref_slice %arg6[%run_scoped3A_7, %dma_wait3A_49, %dma_wait3A_50] : memref<2x10x100xi32, #tpu.memory_space<vmem>> -> memref<1x10x100xi32, #tpu.memory_space<vmem>>
      %dma_wait3A_52 = tpu.memref_squeeze %dma_wait3A_51 : memref<1x10x100xi32, #tpu.memory_space<vmem>> -> memref<10x100xi32, #tpu.memory_space<vmem>>
      %dma_wait3A_53 = arith.constant 0 : i32
      %dma_wait3A_54 = arith.constant 0 : i32
      %dma_wait3A_55 = tpu.memref_slice %arg3[%add3A, %run_scoped3A, %dma_wait3A_53, %dma_wait3A_54] : memref<32x20x10x100xi32, #tpu.memory_space<hbm>> -> memref<1x1x10x100xi32, #tpu.memory_space<hbm>>
      %dma_wait3A_56 = tpu.memref_squeeze %dma_wait3A_55 : memref<1x1x10x100xi32, #tpu.memory_space<hbm>> -> memref<10x100xi32, #tpu.memory_space<hbm>>
      tpu.wait_dma2 semaphore(%run_scoped3A_26 : memref<!tpu.dma_semaphore, #tpu.memory_space<semaphore_mem>>) src(%dma_wait3A_56 : memref<10x100xi32, #tpu.memory_space<hbm>>) dst(%dma_wait3A_52 : memref<10x100xi32, #tpu.memory_space<vmem>>)
      tpu.yield
    }) : () -> ()
    %run_scoped3A_8 = arith.constant 0 : i32
    %run_scoped3A_9 = arith.constant 0 : i32
    "tpu.region"() ({
      %run_scoped3A_26 = tpu.sem_alloc : memref<!tpu.dma_semaphore, #tpu.memory_space<semaphore_mem>>
      %dma_start3A = arith.constant 0 : i32
      %dma_start3A_27 = arith.constant 0 : i32
      %dma_start3A_28 = tpu.memref_slice %arg7[%run_scoped3A_9, %dma_start3A, %dma_start3A_27] : memref<2x10x100xi32, #tpu.memory_space<vmem>> -> memref<1x10x100xi32, #tpu.memory_space<vmem>>
      %dma_start3A_29 = tpu.memref_squeeze %dma_start3A_28 : memref<1x10x100xi32, #tpu.memory_space<vmem>> -> memref<10x100xi32, #tpu.memory_space<vmem>>
      %dma_start3A_30 = arith.constant 0 : i32
      %dma_start3A_31 = arith.constant 0 : i32
      %dma_start3A_32 = tpu.memref_slice %arg4[%add3A, %run_scoped3A_8, %dma_start3A_30, %dma_start3A_31] : memref<32x20x10x100xi32, #tpu.memory_space<hbm>> -> memref<1x1x10x100xi32, #tpu.memory_space<hbm>>
      %dma_start3A_33 = tpu.memref_squeeze %dma_start3A_32 : memref<1x1x10x100xi32, #tpu.memory_space<hbm>> -> memref<10x100xi32, #tpu.memory_space<hbm>>
      %dma_start3A_34 = arith.constant 0 : i32
      %dma_start3A_35 = arith.constant 0 : i32
      %dma_start3A_36 = tpu.memref_slice %arg7[%run_scoped3A_9, %dma_start3A_34, %dma_start3A_35] : memref<2x10x100xi32, #tpu.memory_space<vmem>> -> memref<1x10x100xi32, #tpu.memory_space<vmem>>
      %dma_start3A_37 = tpu.memref_squeeze %dma_start3A_36 : memref<1x10x100xi32, #tpu.memory_space<vmem>> -> memref<10x100xi32, #tpu.memory_space<vmem>>
      %dma_start3A_38 = arith.constant 0 : i32
      %dma_start3A_39 = arith.constant 0 : i32
      %dma_start3A_40 = tpu.memref_slice %arg4[%add3A, %run_scoped3A_8, %dma_start3A_38, %dma_start3A_39] : memref<32x20x10x100xi32, #tpu.memory_space<hbm>> -> memref<1x1x10x100xi32, #tpu.memory_space<hbm>>
      %dma_start3A_41 = tpu.memref_squeeze %dma_start3A_40 : memref<1x1x10x100xi32, #tpu.memory_space<hbm>> -> memref<10x100xi32, #tpu.memory_space<hbm>>
      tpu.enqueue_dma source(%dma_start3A_41 : memref<10x100xi32, #tpu.memory_space<hbm>>) target(%dma_start3A_37 : memref<10x100xi32, #tpu.memory_space<vmem>>) target_semaphore(%run_scoped3A_26 : memref<!tpu.dma_semaphore, #tpu.memory_space<semaphore_mem>>)
      %dma_wait3A = arith.constant 0 : i32
      %dma_wait3A_42 = arith.constant 0 : i32
      %dma_wait3A_43 = tpu.memref_slice %arg7[%run_scoped3A_9, %dma_wait3A, %dma_wait3A_42] : memref<2x10x100xi32, #tpu.memory_space<vmem>> -> memref<1x10x100xi32, #tpu.memory_space<vmem>>
      %dma_wait3A_44 = tpu.memref_squeeze %dma_wait3A_43 : memref<1x10x100xi32, #tpu.memory_space<vmem>> -> memref<10x100xi32, #tpu.memory_space<vmem>>
      %dma_wait3A_45 = arith.constant 0 : i32
      %dma_wait3A_46 = arith.constant 0 : i32
      %dma_wait3A_47 = tpu.memref_slice %arg4[%add3A, %run_scoped3A_8, %dma_wait3A_45, %dma_wait3A_46] : memref<32x20x10x100xi32, #tpu.memory_space<hbm>> -> memref<1x1x10x100xi32, #tpu.memory_space<hbm>>
      %dma_wait3A_48 = tpu.memref_squeeze %dma_wait3A_47 : memref<1x1x10x100xi32, #tpu.memory_space<hbm>> -> memref<10x100xi32, #tpu.memory_space<hbm>>
      %dma_wait3A_49 = arith.constant 0 : i32
      %dma_wait3A_50 = arith.constant 0 : i32
      %dma_wait3A_51 = tpu.memref_slice %arg7[%run_scoped3A_9, %dma_wait3A_49, %dma_wait3A_50] : memref<2x10x100xi32, #tpu.memory_space<vmem>> -> memref<1x10x100xi32, #tpu.memory_space<vmem>>
      %dma_wait3A_52 = tpu.memref_squeeze %dma_wait3A_51 : memref<1x10x100xi32, #tpu.memory_space<vmem>> -> memref<10x100xi32, #tpu.memory_space<vmem>>
      %dma_wait3A_53 = arith.constant 0 : i32
      %dma_wait3A_54 = arith.constant 0 : i32
      %dma_wait3A_55 = tpu.memref_slice %arg4[%add3A, %run_scoped3A_8, %dma_wait3A_53, %dma_wait3A_54] : memref<32x20x10x100xi32, #tpu.memory_space<hbm>> -> memref<1x1x10x100xi32, #tpu.memory_space<hbm>>
      %dma_wait3A_56 = tpu.memref_squeeze %dma_wait3A_55 : memref<1x1x10x100xi32, #tpu.memory_space<hbm>> -> memref<10x100xi32, #tpu.memory_space<hbm>>
      tpu.wait_dma2 semaphore(%run_scoped3A_26 : memref<!tpu.dma_semaphore, #tpu.memory_space<semaphore_mem>>) src(%dma_wait3A_56 : memref<10x100xi32, #tpu.memory_space<hbm>>) dst(%dma_wait3A_52 : memref<10x100xi32, #tpu.memory_space<vmem>>)
      tpu.yield
    }) : () -> ()
    %scan3A = arith.constant 0 : i32
    %scan3A_10 = arith.constant 0 : i32
    %scan3A_11 = arith.constant 20 : i32
    %scan3A_12 = arith.addi %scan3A_10, %scan3A_11 : i32
    %scan3A_13 = arith.constant 1 : i32
    scf.for %scan3A_26 = %scan3A_10 to %scan3A_12 step %scan3A_13  : i32 {
      %rem3A = arith.constant 2 : i32
      %rem3A_27 = arith.remsi %scan3A_26, %rem3A : i32
      %lt3A_28 = arith.constant 19 : i32
      %lt3A_29 = arith.cmpi slt, %scan3A_26, %lt3A_28 : i32
      %convert_element_type3A_30 = arith.extui %lt3A_29 : i1 to i32
      %cond3A_31 = arith.constant 0 : i32
      %cond3A_32 = arith.cmpi ne, %convert_element_type3A_30, %cond3A_31 : i32
      scf.if %cond3A_32 {
        %add3A_54 = arith.constant 1 : i32
        %add3A_55 = arith.addi %scan3A_26, %add3A_54 : i32
        %sub3A = arith.constant 1 : i32
        %sub3A_56 = arith.subi %sub3A, %rem3A_27 : i32
        %dma_start3A_57 = arith.constant 0 : i32
        %dma_start3A_58 = arith.constant 0 : i32
        %dma_start3A_59 = tpu.memref_slice %arg6[%sub3A_56, %dma_start3A_57, %dma_start3A_58] : memref<2x10x100xi32, #tpu.memory_space<vmem>> -> memref<1x10x100xi32, #tpu.memory_space<vmem>>
        %dma_start3A_60 = tpu.memref_squeeze %dma_start3A_59 : memref<1x10x100xi32, #tpu.memory_space<vmem>> -> memref<10x100xi32, #tpu.memory_space<vmem>>
        %dma_start3A_61 = arith.constant 0 : i32
        %dma_start3A_62 = arith.constant 0 : i32
        %dma_start3A_63 = tpu.memref_slice %arg3[%add3A, %add3A_55, %dma_start3A_61, %dma_start3A_62] : memref<32x20x10x100xi32, #tpu.memory_space<hbm>> -> memref<1x1x10x100xi32, #tpu.memory_space<hbm>>
        %dma_start3A_64 = tpu.memref_squeeze %dma_start3A_63 : memref<1x1x10x100xi32, #tpu.memory_space<hbm>> -> memref<10x100xi32, #tpu.memory_space<hbm>>
        %dma_start3A_65 = arith.constant 0 : i32
        %dma_start3A_66 = arith.constant 0 : i32
        %dma_start3A_67 = tpu.memref_slice %arg6[%sub3A_56, %dma_start3A_65, %dma_start3A_66] : memref<2x10x100xi32, #tpu.memory_space<vmem>> -> memref<1x10x100xi32, #tpu.memory_space<vmem>>
        %dma_start3A_68 = tpu.memref_squeeze %dma_start3A_67 : memref<1x10x100xi32, #tpu.memory_space<vmem>> -> memref<10x100xi32, #tpu.memory_space<vmem>>
        %dma_start3A_69 = arith.constant 0 : i32
        %dma_start3A_70 = arith.constant 0 : i32
        %dma_start3A_71 = tpu.memref_slice %arg3[%add3A, %add3A_55, %dma_start3A_69, %dma_start3A_70] : memref<32x20x10x100xi32, #tpu.memory_space<hbm>> -> memref<1x1x10x100xi32, #tpu.memory_space<hbm>>
        %dma_start3A_72 = tpu.memref_squeeze %dma_start3A_71 : memref<1x1x10x100xi32, #tpu.memory_space<hbm>> -> memref<10x100xi32, #tpu.memory_space<hbm>>
        tpu.enqueue_dma source(%dma_start3A_72 : memref<10x100xi32, #tpu.memory_space<hbm>>) target(%dma_start3A_68 : memref<10x100xi32, #tpu.memory_space<vmem>>) target_semaphore(%arg13 : memref<!tpu.dma_semaphore, #tpu.memory_space<semaphore_mem>>)
        %add3A_73 = arith.constant 1 : i32
        %add3A_74 = arith.addi %scan3A_26, %add3A_73 : i32
        %sub3A_75 = arith.constant 1 : i32
        %sub3A_76 = arith.subi %sub3A_75, %rem3A_27 : i32
        %dma_start3A_77 = arith.constant 0 : i32
        %dma_start3A_78 = arith.constant 0 : i32
        %dma_start3A_79 = tpu.memref_slice %arg7[%sub3A_76, %dma_start3A_77, %dma_start3A_78] : memref<2x10x100xi32, #tpu.memory_space<vmem>> -> memref<1x10x100xi32, #tpu.memory_space<vmem>>
        %dma_start3A_80 = tpu.memref_squeeze %dma_start3A_79 : memref<1x10x100xi32, #tpu.memory_space<vmem>> -> memref<10x100xi32, #tpu.memory_space<vmem>>
        %dma_start3A_81 = arith.constant 0 : i32
        %dma_start3A_82 = arith.constant 0 : i32
        %dma_start3A_83 = tpu.memref_slice %arg4[%add3A, %add3A_74, %dma_start3A_81, %dma_start3A_82] : memref<32x20x10x100xi32, #tpu.memory_space<hbm>> -> memref<1x1x10x100xi32, #tpu.memory_space<hbm>>
        %dma_start3A_84 = tpu.memref_squeeze %dma_start3A_83 : memref<1x1x10x100xi32, #tpu.memory_space<hbm>> -> memref<10x100xi32, #tpu.memory_space<hbm>>
        %dma_start3A_85 = arith.constant 0 : i32
        %dma_start3A_86 = arith.constant 0 : i32
        %dma_start3A_87 = tpu.memref_slice %arg7[%sub3A_76, %dma_start3A_85, %dma_start3A_86] : memref<2x10x100xi32, #tpu.memory_space<vmem>> -> memref<1x10x100xi32, #tpu.memory_space<vmem>>
        %dma_start3A_88 = tpu.memref_squeeze %dma_start3A_87 : memref<1x10x100xi32, #tpu.memory_space<vmem>> -> memref<10x100xi32, #tpu.memory_space<vmem>>
        %dma_start3A_89 = arith.constant 0 : i32
        %dma_start3A_90 = arith.constant 0 : i32
        %dma_start3A_91 = tpu.memref_slice %arg4[%add3A, %add3A_74, %dma_start3A_89, %dma_start3A_90] : memref<32x20x10x100xi32, #tpu.memory_space<hbm>> -> memref<1x1x10x100xi32, #tpu.memory_space<hbm>>
        %dma_start3A_92 = tpu.memref_squeeze %dma_start3A_91 : memref<1x1x10x100xi32, #tpu.memory_space<hbm>> -> memref<10x100xi32, #tpu.memory_space<hbm>>
        tpu.enqueue_dma source(%dma_start3A_92 : memref<10x100xi32, #tpu.memory_space<hbm>>) target(%dma_start3A_88 : memref<10x100xi32, #tpu.memory_space<vmem>>) target_semaphore(%arg13 : memref<!tpu.dma_semaphore, #tpu.memory_space<semaphore_mem>>)
      } else {
      }
      %dma_start3A = arith.constant 0 : i32
      %dma_start3A_33 = arith.constant 0 : i32
      %dma_start3A_34 = arith.constant 0 : i32
      %dma_start3A_35 = tpu.memref_slice %arg6[%rem3A_27, %dma_start3A_33, %dma_start3A_34] : memref<2x10x100xi32, #tpu.memory_space<vmem>> -> memref<1x10x100xi32, #tpu.memory_space<vmem>>
      %dma_start3A_36 = tpu.memref_squeeze %dma_start3A_35 : memref<1x10x100xi32, #tpu.memory_space<vmem>> -> memref<10x100xi32, #tpu.memory_space<vmem>>
      %dma_start3A_37 = arith.constant 0 : i32
      %dma_start3A_38 = tpu.memref_slice %dma_start3A_36[%dma_start3A, %dma_start3A_37] : memref<10x100xi32, #tpu.memory_space<vmem>> -> memref<1x100xi32, #tpu.memory_space<vmem>>
      %dma_start3A_39 = tpu.memref_squeeze %dma_start3A_38 : memref<1x100xi32, #tpu.memory_space<vmem>> -> memref<100xi32, #tpu.memory_space<vmem>>
      %dma_start3A_40 = arith.constant 0 : i32
      %dma_start3A_41 = arith.constant 0 : i32
      %dma_start3A_42 = tpu.memref_slice %arg2[%dma_start3A_40, %dma_start3A_41] : memref<20000x128xf32, #tpu.memory_space<hbm>> -> memref<20000x128xf32, #tpu.memory_space<hbm>>
      tpu.enqueue_indirect_dma source(%dma_start3A_42 : memref<20000x128xf32, #tpu.memory_space<hbm>>) target(%arg8 : memref<100x128xf32, #tpu.memory_space<vmem>>) offsets(%dma_start3A_39 : memref<100xi32, #tpu.memory_space<vmem>>) semaphore(%arg11 : memref<!tpu.dma_semaphore, #tpu.memory_space<semaphore_mem>>)
      %scan3A_43 = arith.constant 0 : i32
      %scan3A_44 = arith.constant 0 : i32
      %scan3A_45 = arith.constant 5 : i32
      %scan3A_46 = arith.addi %scan3A_44, %scan3A_45 : i32
      %scan3A_47 = arith.constant 1 : i32
      scf.for %scan3A_54 = %scan3A_44 to %scan3A_46 step %scan3A_47  : i32 {
        %mul3A_55 = arith.constant 2 : i32
        %mul3A_56 = arith.muli %mul3A_55, %scan3A_54 : i32
        %add3A_57 = arith.constant 1 : i32
        %add3A_58 = arith.addi %mul3A_56, %add3A_57 : i32
        %dma_start3A_59 = arith.constant 0 : i32
        %dma_start3A_60 = arith.constant 0 : i32
        %dma_start3A_61 = tpu.memref_slice %arg6[%rem3A_27, %dma_start3A_59, %dma_start3A_60] : memref<2x10x100xi32, #tpu.memory_space<vmem>> -> memref<1x10x100xi32, #tpu.memory_space<vmem>>
        %dma_start3A_62 = tpu.memref_squeeze %dma_start3A_61 : memref<1x10x100xi32, #tpu.memory_space<vmem>> -> memref<10x100xi32, #tpu.memory_space<vmem>>
        %dma_start3A_63 = arith.constant 0 : i32
        %dma_start3A_64 = tpu.memref_slice %dma_start3A_62[%add3A_58, %dma_start3A_63] : memref<10x100xi32, #tpu.memory_space<vmem>> -> memref<1x100xi32, #tpu.memory_space<vmem>>
        %dma_start3A_65 = tpu.memref_squeeze %dma_start3A_64 : memref<1x100xi32, #tpu.memory_space<vmem>> -> memref<100xi32, #tpu.memory_space<vmem>>
        %dma_start3A_66 = arith.constant 0 : i32
        %dma_start3A_67 = arith.constant 0 : i32
        %dma_start3A_68 = tpu.memref_slice %arg2[%dma_start3A_66, %dma_start3A_67] : memref<20000x128xf32, #tpu.memory_space<hbm>> -> memref<20000x128xf32, #tpu.memory_space<hbm>>
        tpu.enqueue_indirect_dma source(%dma_start3A_68 : memref<20000x128xf32, #tpu.memory_space<hbm>>) target(%arg9 : memref<100x128xf32, #tpu.memory_space<vmem>>) offsets(%dma_start3A_65 : memref<100xi32, #tpu.memory_space<vmem>>) semaphore(%arg12 : memref<!tpu.dma_semaphore, #tpu.memory_space<semaphore_mem>>)
        %dma_wait3A = arith.constant 0 : i32
        %dma_wait3A_69 = arith.constant 0 : i32
        %dma_wait3A_70 = tpu.memref_slice %arg6[%rem3A_27, %dma_wait3A, %dma_wait3A_69] : memref<2x10x100xi32, #tpu.memory_space<vmem>> -> memref<1x10x100xi32, #tpu.memory_space<vmem>>
        %dma_wait3A_71 = tpu.memref_squeeze %dma_wait3A_70 : memref<1x10x100xi32, #tpu.memory_space<vmem>> -> memref<10x100xi32, #tpu.memory_space<vmem>>
        %dma_wait3A_72 = arith.constant 0 : i32
        %dma_wait3A_73 = tpu.memref_slice %dma_wait3A_71[%mul3A_56, %dma_wait3A_72] : memref<10x100xi32, #tpu.memory_space<vmem>> -> memref<1x100xi32, #tpu.memory_space<vmem>>
        %dma_wait3A_74 = tpu.memref_squeeze %dma_wait3A_73 : memref<1x100xi32, #tpu.memory_space<vmem>> -> memref<100xi32, #tpu.memory_space<vmem>>
        %dma_wait3A_75 = arith.constant 0 : i32
        %dma_wait3A_76 = arith.constant 0 : i32
        %dma_wait3A_77 = tpu.memref_slice %arg2[%dma_wait3A_75, %dma_wait3A_76] : memref<20000x128xf32, #tpu.memory_space<hbm>> -> memref<20000x128xf32, #tpu.memory_space<hbm>>
        tpu.wait_indirect_dma semaphore(%arg11 : memref<!tpu.dma_semaphore, #tpu.memory_space<semaphore_mem>>) src(%dma_wait3A_77 : memref<20000x128xf32, #tpu.memory_space<hbm>>) dst(%arg8 : memref<100x128xf32, #tpu.memory_space<vmem>>)
        "tpu.region"() ({
          %run_scoped3A_97 = tpu.sem_alloc : memref<!tpu.dma_semaphore, #tpu.memory_space<semaphore_mem>>
          %dma_start3A_98 = arith.constant 0 : i32
          %dma_start3A_99 = arith.constant 0 : i32
          %dma_start3A_100 = tpu.memref_slice %arg7[%rem3A_27, %dma_start3A_98, %dma_start3A_99] : memref<2x10x100xi32, #tpu.memory_space<vmem>> -> memref<1x10x100xi32, #tpu.memory_space<vmem>>
          %dma_start3A_101 = tpu.memref_squeeze %dma_start3A_100 : memref<1x10x100xi32, #tpu.memory_space<vmem>> -> memref<10x100xi32, #tpu.memory_space<vmem>>
          %dma_start3A_102 = arith.constant 0 : i32
          %dma_start3A_103 = tpu.memref_slice %dma_start3A_101[%mul3A_56, %dma_start3A_102] : memref<10x100xi32, #tpu.memory_space<vmem>> -> memref<1x100xi32, #tpu.memory_space<vmem>>
          %dma_start3A_104 = tpu.memref_squeeze %dma_start3A_103 : memref<1x100xi32, #tpu.memory_space<vmem>> -> memref<100xi32, #tpu.memory_space<vmem>>
          %dma_start3A_105 = arith.constant 0 : i32
          %dma_start3A_106 = arith.constant 0 : i32
          %dma_start3A_107 = tpu.memref_slice %arg10[%dma_start3A_105, %dma_start3A_106] : memref<10000x128xf32, #tpu.memory_space<vmem_shared>> -> memref<10000x128xf32, #tpu.memory_space<vmem_shared>>
          tpu.enqueue_indirect_dma source(%arg8 : memref<100x128xf32, #tpu.memory_space<vmem>>) target(%dma_start3A_107 : memref<10000x128xf32, #tpu.memory_space<vmem_shared>>) offsets(%dma_start3A_104 : memref<100xi32, #tpu.memory_space<vmem>>) semaphore(%run_scoped3A_97 : memref<!tpu.dma_semaphore, #tpu.memory_space<semaphore_mem>>) {add = true}
          %dma_wait3A_108 = arith.constant 0 : i32
          %dma_wait3A_109 = arith.constant 0 : i32
          %dma_wait3A_110 = tpu.memref_slice %arg7[%rem3A_27, %dma_wait3A_108, %dma_wait3A_109] : memref<2x10x100xi32, #tpu.memory_space<vmem>> -> memref<1x10x100xi32, #tpu.memory_space<vmem>>
          %dma_wait3A_111 = tpu.memref_squeeze %dma_wait3A_110 : memref<1x10x100xi32, #tpu.memory_space<vmem>> -> memref<10x100xi32, #tpu.memory_space<vmem>>
          %dma_wait3A_112 = arith.constant 0 : i32
          %dma_wait3A_113 = tpu.memref_slice %dma_wait3A_111[%mul3A_56, %dma_wait3A_112] : memref<10x100xi32, #tpu.memory_space<vmem>> -> memref<1x100xi32, #tpu.memory_space<vmem>>
          %dma_wait3A_114 = tpu.memref_squeeze %dma_wait3A_113 : memref<1x100xi32, #tpu.memory_space<vmem>> -> memref<100xi32, #tpu.memory_space<vmem>>
          %dma_wait3A_115 = arith.constant 0 : i32
          %dma_wait3A_116 = arith.constant 0 : i32
          %dma_wait3A_117 = tpu.memref_slice %arg10[%dma_wait3A_115, %dma_wait3A_116] : memref<10000x128xf32, #tpu.memory_space<vmem_shared>> -> memref<10000x128xf32, #tpu.memory_space<vmem_shared>>
          tpu.wait_indirect_dma semaphore(%run_scoped3A_97 : memref<!tpu.dma_semaphore, #tpu.memory_space<semaphore_mem>>) src(%arg8 : memref<100x128xf32, #tpu.memory_space<vmem>>) dst(%dma_wait3A_117 : memref<10000x128xf32, #tpu.memory_space<vmem_shared>>)
          tpu.yield
        }) : () -> ()
        %lt3A_78 = arith.constant 4 : i32
        %lt3A_79 = arith.cmpi slt, %scan3A_54, %lt3A_78 : i32
        %convert_element_type3A_80 = arith.extui %lt3A_79 : i1 to i32
        %cond3A_81 = arith.constant 0 : i32
        %cond3A_82 = arith.cmpi ne, %convert_element_type3A_80, %cond3A_81 : i32
        scf.if %cond3A_82 {
          %add3A_97 = arith.constant 2 : i32
          %add3A_98 = arith.addi %mul3A_56, %add3A_97 : i32
          %dma_start3A_99 = arith.constant 0 : i32
          %dma_start3A_100 = arith.constant 0 : i32
          %dma_start3A_101 = tpu.memref_slice %arg6[%rem3A_27, %dma_start3A_99, %dma_start3A_100] : memref<2x10x100xi32, #tpu.memory_space<vmem>> -> memref<1x10x100xi32, #tpu.memory_space<vmem>>
          %dma_start3A_102 = tpu.memref_squeeze %dma_start3A_101 : memref<1x10x100xi32, #tpu.memory_space<vmem>> -> memref<10x100xi32, #tpu.memory_space<vmem>>
          %dma_start3A_103 = arith.constant 0 : i32
          %dma_start3A_104 = tpu.memref_slice %dma_start3A_102[%add3A_98, %dma_start3A_103] : memref<10x100xi32, #tpu.memory_space<vmem>> -> memref<1x100xi32, #tpu.memory_space<vmem>>
          %dma_start3A_105 = tpu.memref_squeeze %dma_start3A_104 : memref<1x100xi32, #tpu.memory_space<vmem>> -> memref<100xi32, #tpu.memory_space<vmem>>
          %dma_start3A_106 = arith.constant 0 : i32
          %dma_start3A_107 = arith.constant 0 : i32
          %dma_start3A_108 = tpu.memref_slice %arg2[%dma_start3A_106, %dma_start3A_107] : memref<20000x128xf32, #tpu.memory_space<hbm>> -> memref<20000x128xf32, #tpu.memory_space<hbm>>
          tpu.enqueue_indirect_dma source(%dma_start3A_108 : memref<20000x128xf32, #tpu.memory_space<hbm>>) target(%arg8 : memref<100x128xf32, #tpu.memory_space<vmem>>) offsets(%dma_start3A_105 : memref<100xi32, #tpu.memory_space<vmem>>) semaphore(%arg11 : memref<!tpu.dma_semaphore, #tpu.memory_space<semaphore_mem>>)
        } else {
        }
        %add3A_83 = arith.constant 1 : i32
        %add3A_84 = arith.addi %mul3A_56, %add3A_83 : i32
        %dma_wait3A_85 = arith.constant 0 : i32
        %dma_wait3A_86 = arith.constant 0 : i32
        %dma_wait3A_87 = tpu.memref_slice %arg6[%rem3A_27, %dma_wait3A_85, %dma_wait3A_86] : memref<2x10x100xi32, #tpu.memory_space<vmem>> -> memref<1x10x100xi32, #tpu.memory_space<vmem>>
        %dma_wait3A_88 = tpu.memref_squeeze %dma_wait3A_87 : memref<1x10x100xi32, #tpu.memory_space<vmem>> -> memref<10x100xi32, #tpu.memory_space<vmem>>
        %dma_wait3A_89 = arith.constant 0 : i32
        %dma_wait3A_90 = tpu.memref_slice %dma_wait3A_88[%add3A_84, %dma_wait3A_89] : memref<10x100xi32, #tpu.memory_space<vmem>> -> memref<1x100xi32, #tpu.memory_space<vmem>>
        %dma_wait3A_91 = tpu.memref_squeeze %dma_wait3A_90 : memref<1x100xi32, #tpu.memory_space<vmem>> -> memref<100xi32, #tpu.memory_space<vmem>>
        %dma_wait3A_92 = arith.constant 0 : i32
        %dma_wait3A_93 = arith.constant 0 : i32
        %dma_wait3A_94 = tpu.memref_slice %arg2[%dma_wait3A_92, %dma_wait3A_93] : memref<20000x128xf32, #tpu.memory_space<hbm>> -> memref<20000x128xf32, #tpu.memory_space<hbm>>
        tpu.wait_indirect_dma semaphore(%arg12 : memref<!tpu.dma_semaphore, #tpu.memory_space<semaphore_mem>>) src(%dma_wait3A_94 : memref<20000x128xf32, #tpu.memory_space<hbm>>) dst(%arg9 : memref<100x128xf32, #tpu.memory_space<vmem>>)
        %add3A_95 = arith.constant 1 : i32
        %add3A_96 = arith.addi %mul3A_56, %add3A_95 : i32
        "tpu.region"() ({
          %run_scoped3A_97 = tpu.sem_alloc : memref<!tpu.dma_semaphore, #tpu.memory_space<semaphore_mem>>
          %dma_start3A_98 = arith.constant 0 : i32
          %dma_start3A_99 = arith.constant 0 : i32
          %dma_start3A_100 = tpu.memref_slice %arg7[%rem3A_27, %dma_start3A_98, %dma_start3A_99] : memref<2x10x100xi32, #tpu.memory_space<vmem>> -> memref<1x10x100xi32, #tpu.memory_space<vmem>>
          %dma_start3A_101 = tpu.memref_squeeze %dma_start3A_100 : memref<1x10x100xi32, #tpu.memory_space<vmem>> -> memref<10x100xi32, #tpu.memory_space<vmem>>
          %dma_start3A_102 = arith.constant 0 : i32
          %dma_start3A_103 = tpu.memref_slice %dma_start3A_101[%add3A_96, %dma_start3A_102] : memref<10x100xi32, #tpu.memory_space<vmem>> -> memref<1x100xi32, #tpu.memory_space<vmem>>
          %dma_start3A_104 = tpu.memref_squeeze %dma_start3A_103 : memref<1x100xi32, #tpu.memory_space<vmem>> -> memref<100xi32, #tpu.memory_space<vmem>>
          %dma_start3A_105 = arith.constant 0 : i32
          %dma_start3A_106 = arith.constant 0 : i32
          %dma_start3A_107 = tpu.memref_slice %arg10[%dma_start3A_105, %dma_start3A_106] : memref<10000x128xf32, #tpu.memory_space<vmem_shared>> -> memref<10000x128xf32, #tpu.memory_space<vmem_shared>>
          tpu.enqueue_indirect_dma source(%arg9 : memref<100x128xf32, #tpu.memory_space<vmem>>) target(%dma_start3A_107 : memref<10000x128xf32, #tpu.memory_space<vmem_shared>>) offsets(%dma_start3A_104 : memref<100xi32, #tpu.memory_space<vmem>>) semaphore(%run_scoped3A_97 : memref<!tpu.dma_semaphore, #tpu.memory_space<semaphore_mem>>) {add = true}
          %dma_wait3A_108 = arith.constant 0 : i32
          %dma_wait3A_109 = arith.constant 0 : i32
          %dma_wait3A_110 = tpu.memref_slice %arg7[%rem3A_27, %dma_wait3A_108, %dma_wait3A_109] : memref<2x10x100xi32, #tpu.memory_space<vmem>> -> memref<1x10x100xi32, #tpu.memory_space<vmem>>
          %dma_wait3A_111 = tpu.memref_squeeze %dma_wait3A_110 : memref<1x10x100xi32, #tpu.memory_space<vmem>> -> memref<10x100xi32, #tpu.memory_space<vmem>>
          %dma_wait3A_112 = arith.constant 0 : i32
          %dma_wait3A_113 = tpu.memref_slice %dma_wait3A_111[%add3A_96, %dma_wait3A_112] : memref<10x100xi32, #tpu.memory_space<vmem>> -> memref<1x100xi32, #tpu.memory_space<vmem>>
          %dma_wait3A_114 = tpu.memref_squeeze %dma_wait3A_113 : memref<1x100xi32, #tpu.memory_space<vmem>> -> memref<100xi32, #tpu.memory_space<vmem>>
          %dma_wait3A_115 = arith.constant 0 : i32
          %dma_wait3A_116 = arith.constant 0 : i32
          %dma_wait3A_117 = tpu.memref_slice %arg10[%dma_wait3A_115, %dma_wait3A_116] : memref<10000x128xf32, #tpu.memory_space<vmem_shared>> -> memref<10000x128xf32, #tpu.memory_space<vmem_shared>>
          tpu.wait_indirect_dma semaphore(%run_scoped3A_97 : memref<!tpu.dma_semaphore, #tpu.memory_space<semaphore_mem>>) src(%arg9 : memref<100x128xf32, #tpu.memory_space<vmem>>) dst(%dma_wait3A_117 : memref<10000x128xf32, #tpu.memory_space<vmem_shared>>)
          tpu.yield
        }) : () -> ()
      }
      %scan3A_48 = arith.constant 5 : i32
      %lt3A_49 = arith.constant 19 : i32
      %lt3A_50 = arith.cmpi slt, %scan3A_26, %lt3A_49 : i32
      %convert_element_type3A_51 = arith.extui %lt3A_50 : i1 to i32
      %cond3A_52 = arith.constant 0 : i32
      %cond3A_53 = arith.cmpi ne, %convert_element_type3A_51, %cond3A_52 : i32
      scf.if %cond3A_53 {
        %add3A_54 = arith.constant 1 : i32
        %add3A_55 = arith.addi %scan3A_26, %add3A_54 : i32
        %sub3A = arith.constant 1 : i32
        %sub3A_56 = arith.subi %sub3A, %rem3A_27 : i32
        %dma_wait3A = arith.constant 0 : i32
        %dma_wait3A_57 = arith.constant 0 : i32
        %dma_wait3A_58 = tpu.memref_slice %arg6[%sub3A_56, %dma_wait3A, %dma_wait3A_57] : memref<2x10x100xi32, #tpu.memory_space<vmem>> -> memref<1x10x100xi32, #tpu.memory_space<vmem>>
        %dma_wait3A_59 = tpu.memref_squeeze %dma_wait3A_58 : memref<1x10x100xi32, #tpu.memory_space<vmem>> -> memref<10x100xi32, #tpu.memory_space<vmem>>
        %dma_wait3A_60 = arith.constant 0 : i32
        %dma_wait3A_61 = arith.constant 0 : i32
        %dma_wait3A_62 = tpu.memref_slice %arg3[%add3A, %add3A_55, %dma_wait3A_60, %dma_wait3A_61] : memref<32x20x10x100xi32, #tpu.memory_space<hbm>> -> memref<1x1x10x100xi32, #tpu.memory_space<hbm>>
        %dma_wait3A_63 = tpu.memref_squeeze %dma_wait3A_62 : memref<1x1x10x100xi32, #tpu.memory_space<hbm>> -> memref<10x100xi32, #tpu.memory_space<hbm>>
        %dma_wait3A_64 = arith.constant 0 : i32
        %dma_wait3A_65 = arith.constant 0 : i32
        %dma_wait3A_66 = tpu.memref_slice %arg6[%sub3A_56, %dma_wait3A_64, %dma_wait3A_65] : memref<2x10x100xi32, #tpu.memory_space<vmem>> -> memref<1x10x100xi32, #tpu.memory_space<vmem>>
        %dma_wait3A_67 = tpu.memref_squeeze %dma_wait3A_66 : memref<1x10x100xi32, #tpu.memory_space<vmem>> -> memref<10x100xi32, #tpu.memory_space<vmem>>
        %dma_wait3A_68 = arith.constant 0 : i32
        %dma_wait3A_69 = arith.constant 0 : i32
        %dma_wait3A_70 = tpu.memref_slice %arg3[%add3A, %add3A_55, %dma_wait3A_68, %dma_wait3A_69] : memref<32x20x10x100xi32, #tpu.memory_space<hbm>> -> memref<1x1x10x100xi32, #tpu.memory_space<hbm>>
        %dma_wait3A_71 = tpu.memref_squeeze %dma_wait3A_70 : memref<1x1x10x100xi32, #tpu.memory_space<hbm>> -> memref<10x100xi32, #tpu.memory_space<hbm>>
        tpu.wait_dma2 semaphore(%arg13 : memref<!tpu.dma_semaphore, #tpu.memory_space<semaphore_mem>>) src(%dma_wait3A_71 : memref<10x100xi32, #tpu.memory_space<hbm>>) dst(%dma_wait3A_67 : memref<10x100xi32, #tpu.memory_space<vmem>>)
        %add3A_72 = arith.constant 1 : i32
        %add3A_73 = arith.addi %scan3A_26, %add3A_72 : i32
        %sub3A_74 = arith.constant 1 : i32
        %sub3A_75 = arith.subi %sub3A_74, %rem3A_27 : i32
        %dma_wait3A_76 = arith.constant 0 : i32
        %dma_wait3A_77 = arith.constant 0 : i32
        %dma_wait3A_78 = tpu.memref_slice %arg7[%sub3A_75, %dma_wait3A_76, %dma_wait3A_77] : memref<2x10x100xi32, #tpu.memory_space<vmem>> -> memref<1x10x100xi32, #tpu.memory_space<vmem>>
        %dma_wait3A_79 = tpu.memref_squeeze %dma_wait3A_78 : memref<1x10x100xi32, #tpu.memory_space<vmem>> -> memref<10x100xi32, #tpu.memory_space<vmem>>
        %dma_wait3A_80 = arith.constant 0 : i32
        %dma_wait3A_81 = arith.constant 0 : i32
        %dma_wait3A_82 = tpu.memref_slice %arg4[%add3A, %add3A_73, %dma_wait3A_80, %dma_wait3A_81] : memref<32x20x10x100xi32, #tpu.memory_space<hbm>> -> memref<1x1x10x100xi32, #tpu.memory_space<hbm>>
        %dma_wait3A_83 = tpu.memref_squeeze %dma_wait3A_82 : memref<1x1x10x100xi32, #tpu.memory_space<hbm>> -> memref<10x100xi32, #tpu.memory_space<hbm>>
        %dma_wait3A_84 = arith.constant 0 : i32
        %dma_wait3A_85 = arith.constant 0 : i32
        %dma_wait3A_86 = tpu.memref_slice %arg7[%sub3A_75, %dma_wait3A_84, %dma_wait3A_85] : memref<2x10x100xi32, #tpu.memory_space<vmem>> -> memref<1x10x100xi32, #tpu.memory_space<vmem>>
        %dma_wait3A_87 = tpu.memref_squeeze %dma_wait3A_86 : memref<1x10x100xi32, #tpu.memory_space<vmem>> -> memref<10x100xi32, #tpu.memory_space<vmem>>
        %dma_wait3A_88 = arith.constant 0 : i32
        %dma_wait3A_89 = arith.constant 0 : i32
        %dma_wait3A_90 = tpu.memref_slice %arg4[%add3A, %add3A_73, %dma_wait3A_88, %dma_wait3A_89] : memref<32x20x10x100xi32, #tpu.memory_space<hbm>> -> memref<1x1x10x100xi32, #tpu.memory_space<hbm>>
        %dma_wait3A_91 = tpu.memref_squeeze %dma_wait3A_90 : memref<1x1x10x100xi32, #tpu.memory_space<hbm>> -> memref<10x100xi32, #tpu.memory_space<hbm>>
        tpu.wait_dma2 semaphore(%arg13 : memref<!tpu.dma_semaphore, #tpu.memory_space<semaphore_mem>>) src(%dma_wait3A_91 : memref<10x100xi32, #tpu.memory_space<hbm>>) dst(%dma_wait3A_87 : memref<10x100xi32, #tpu.memory_space<vmem>>)
      } else {
      }
    }
    %scan3A_14 = arith.constant 20 : i32
    %barrier3A_15 = arith.constant 0 : index
    tpu.barrier barrier_id(%barrier3A_15)
    %lt3A_16 = arith.constant 15 : i32
    %lt3A_17 = arith.cmpi slt, %arg1, %lt3A_16 : i32
    %convert_element_type3A_18 = arith.extui %lt3A_17 : i1 to i32
    %cond3A_19 = arith.constant 0 : i32
    %cond3A_20 = arith.cmpi ne, %convert_element_type3A_18, %cond3A_19 : i32
    scf.if %cond3A_20 {
      %mul3A_26 = arith.constant 640 : i32
      %mul3A_27 = arith.muli %arg1, %mul3A_26 : i32
      %mul3A_28 = arith.constant 10000 : i32
      %mul3A_29 = arith.muli %arg0, %mul3A_28 : i32
      %mul3A_30 = arith.constant 640 : i32
      %mul3A_31 = arith.muli %arg1, %mul3A_30 : i32
      %add3A_32 = arith.addi %mul3A_29, %mul3A_31 : i32
      "tpu.region"() ({
        %run_scoped3A_33 = tpu.sem_alloc : memref<!tpu.dma_semaphore, #tpu.memory_space<semaphore_mem>>
        %dma_start3A = arith.constant 0 : i32
        %dma_start3A_34 = tpu.memref_slice %arg5[%add3A_32, %dma_start3A] : memref<20000x128xf32, #tpu.memory_space<hbm>> -> memref<640x128xf32, #tpu.memory_space<hbm>>
        %dma_start3A_35 = arith.constant 0 : i32
        %dma_start3A_36 = tpu.memref_slice %arg10[%mul3A_27, %dma_start3A_35] : memref<10000x128xf32, #tpu.memory_space<vmem_shared>> -> memref<640x128xf32, #tpu.memory_space<vmem_shared>>
        tpu.enqueue_dma source(%dma_start3A_36 : memref<640x128xf32, #tpu.memory_space<vmem_shared>>) target(%dma_start3A_34 : memref<640x128xf32, #tpu.memory_space<hbm>>) target_semaphore(%run_scoped3A_33 : memref<!tpu.dma_semaphore, #tpu.memory_space<semaphore_mem>>)
        %dma_wait3A = arith.constant 0 : i32
        %dma_wait3A_37 = tpu.memref_slice %arg5[%add3A_32, %dma_wait3A] : memref<20000x128xf32, #tpu.memory_space<hbm>> -> memref<640x128xf32, #tpu.memory_space<hbm>>
        %dma_wait3A_38 = arith.constant 0 : i32
        %dma_wait3A_39 = tpu.memref_slice %arg10[%mul3A_27, %dma_wait3A_38] : memref<10000x128xf32, #tpu.memory_space<vmem_shared>> -> memref<640x128xf32, #tpu.memory_space<vmem_shared>>
        tpu.wait_dma2 semaphore(%run_scoped3A_33 : memref<!tpu.dma_semaphore, #tpu.memory_space<semaphore_mem>>) src(%dma_wait3A_39 : memref<640x128xf32, #tpu.memory_space<vmem_shared>>) dst(%dma_wait3A_37 : memref<640x128xf32, #tpu.memory_space<hbm>>)
        tpu.yield
      }) : () -> ()
    } else {
    }
    %eq3A_21 = arith.constant 15 : i32
    %eq3A_22 = arith.cmpi eq, %arg1, %eq3A_21 : i32
    %convert_element_type3A_23 = arith.extui %eq3A_22 : i1 to i32
    %cond3A_24 = arith.constant 0 : i32
    %cond3A_25 = arith.cmpi ne, %convert_element_type3A_23, %cond3A_24 : i32
    scf.if %cond3A_25 {
      %mul3A_26 = arith.constant 10000 : i32
      %mul3A_27 = arith.muli %arg0, %mul3A_26 : i32
      %add3A_28 = arith.constant 9600 : i32
      %add3A_29 = arith.addi %mul3A_27, %add3A_28 : i32
      "tpu.region"() ({
        %run_scoped3A_30 = tpu.sem_alloc : memref<!tpu.dma_semaphore, #tpu.memory_space<semaphore_mem>>
        %dma_start3A = arith.constant 0 : i32
        %dma_start3A_31 = tpu.memref_slice %arg5[%add3A_29, %dma_start3A] : memref<20000x128xf32, #tpu.memory_space<hbm>> -> memref<400x128xf32, #tpu.memory_space<hbm>>
        %dma_start3A_32 = arith.constant 9600 : i32
        %dma_start3A_33 = arith.constant 0 : i32
        %dma_start3A_34 = tpu.memref_slice %arg10[%dma_start3A_32, %dma_start3A_33] : memref<10000x128xf32, #tpu.memory_space<vmem_shared>> -> memref<400x128xf32, #tpu.memory_space<vmem_shared>>
        tpu.enqueue_dma source(%dma_start3A_34 : memref<400x128xf32, #tpu.memory_space<vmem_shared>>) target(%dma_start3A_31 : memref<400x128xf32, #tpu.memory_space<hbm>>) target_semaphore(%run_scoped3A_30 : memref<!tpu.dma_semaphore, #tpu.memory_space<semaphore_mem>>)
        %dma_wait3A = arith.constant 0 : i32
        %dma_wait3A_35 = tpu.memref_slice %arg5[%add3A_29, %dma_wait3A] : memref<20000x128xf32, #tpu.memory_space<hbm>> -> memref<400x128xf32, #tpu.memory_space<hbm>>
        %dma_wait3A_36 = arith.constant 9600 : i32
        %dma_wait3A_37 = arith.constant 0 : i32
        %dma_wait3A_38 = tpu.memref_slice %arg10[%dma_wait3A_36, %dma_wait3A_37] : memref<10000x128xf32, #tpu.memory_space<vmem_shared>> -> memref<400x128xf32, #tpu.memory_space<vmem_shared>>
        tpu.wait_dma2 semaphore(%run_scoped3A_30 : memref<!tpu.dma_semaphore, #tpu.memory_space<semaphore_mem>>) src(%dma_wait3A_38 : memref<400x128xf32, #tpu.memory_space<vmem_shared>>) dst(%dma_wait3A_35 : memref<400x128xf32, #tpu.memory_space<hbm>>)
        tpu.yield
      }) : () -> ()
    } else {
    }
    return
  }
}

#map = affine_map<(d0, d1) -> (0, 0)>
#map1 = affine_map<(d0, d1) -> (0, 0, 0, 0)>
module attributes {stable_mosaic.version = 14 : i64} {
  func.func @_scatter_kernel(%arg0: i32, %arg1: i32, %arg2: memref<20000x128xf32, #tpu.memory_space<hbm>>, %arg3: memref<32x20x10x100xi32, #tpu.memory_space<hbm>>, %arg4: memref<32x20x10x100xi32, #tpu.memory_space<hbm>>, %arg5: memref<20000x128xf32, #tpu.memory_space<hbm>>, %arg6: memref<2x10x100xi32, #tpu.memory_space<vmem>>, %arg7: memref<2x10x100xi32, #tpu.memory_space<vmem>>, %arg8: memref<100x128xf32, #tpu.memory_space<vmem>>, %arg9: memref<100x128xf32, #tpu.memory_space<vmem>>, %arg10: memref<10000x128xf32, #tpu.memory_space<vmem_shared>>, %arg11: memref<!tpu.dma_semaphore, #tpu.memory_space<semaphore_mem>>, %arg12: memref<!tpu.dma_semaphore, #tpu.memory_space<semaphore_mem>>, %arg13: memref<!tpu.dma_semaphore, #tpu.memory_space<semaphore_mem>>) attributes {dimension_semantics = [#tpu.dimension_semantics<core_parallel>, #tpu.dimension_semantics<subcore_parallel>], iteration_bounds = array<i64: 2, 16>, scalar_prefetch = 0 : i64, scratch_operands = 8 : i64, tpu.core_type = #tpu.core_type<sc_vector_subcore>, window_params = [{transform_indices = #map}, {transform_indices = #map1}, {transform_indices = #map1}, {transform_indices = #map}]} {
    %mul3A = arith.constant 16 : i32
    %mul3A_0 = arith.muli %arg0, %mul3A : i32
    %add3A = arith.addi %mul3A_0, %arg1 : i32
    %lt3A = arith.constant 15 : i32
    %lt3A_1 = arith.cmpi slt, %arg1, %lt3A : i32
    %convert_element_type3A = arith.extui %lt3A_1 : i1 to i32
    %cond3A = arith.constant 0 : i32
    %cond3A_2 = arith.cmpi ne, %convert_element_type3A, %cond3A : i32
    scf.if %cond3A_2 {
      %mul3A_26 = arith.constant 10000 : i32
      %mul3A_27 = arith.muli %arg0, %mul3A_26 : i32
      %mul3A_28 = arith.constant 640 : i32
      %mul3A_29 = arith.muli %arg1, %mul3A_28 : i32
      %add3A_30 = arith.addi %mul3A_27, %mul3A_29 : i32
      %mul3A_31 = arith.constant 640 : i32
      %mul3A_32 = arith.muli %arg1, %mul3A_31 : i32
      "tpu.region"() ({
        %run_scoped3A_33 = tpu.sem_alloc : memref<!tpu.dma_semaphore, #tpu.memory_space<semaphore_mem>>
        %dma_start3A = arith.constant 0 : i32
        %dma_start3A_34 = tpu.memref_slice %arg10[%mul3A_32, %dma_start3A] : memref<10000x128xf32, #tpu.memory_space<vmem_shared>> -> memref<640x128xf32, #tpu.memory_space<vmem_shared>>
        %dma_start3A_35 = arith.constant 0 : i32
        %dma_start3A_36 = tpu.memref_slice %arg2[%add3A_30, %dma_start3A_35] : memref<20000x128xf32, #tpu.memory_space<hbm>> -> memref<640x128xf32, #tpu.memory_space<hbm>>
        tpu.enqueue_dma source(%dma_start3A_36 : memref<640x128xf32, #tpu.memory_space<hbm>>) target(%dma_start3A_34 : memref<640x128xf32, #tpu.memory_space<vmem_shared>>) target_semaphore(%run_scoped3A_33 : memref<!tpu.dma_semaphore, #tpu.memory_space<semaphore_mem>>)
        %dma_wait3A = arith.constant 0 : i32
        %dma_wait3A_37 = tpu.memref_slice %arg10[%mul3A_32, %dma_wait3A] : memref<10000x128xf32, #tpu.memory_space<vmem_shared>> -> memref<640x128xf32, #tpu.memory_space<vmem_shared>>
        %dma_wait3A_38 = arith.constant 0 : i32
        %dma_wait3A_39 = tpu.memref_slice %arg2[%add3A_30, %dma_wait3A_38] : memref<20000x128xf32, #tpu.memory_space<hbm>> -> memref<640x128xf32, #tpu.memory_space<hbm>>
        tpu.wait_dma2 semaphore(%run_scoped3A_33 : memref<!tpu.dma_semaphore, #tpu.memory_space<semaphore_mem>>) src(%dma_wait3A_39 : memref<640x128xf32, #tpu.memory_space<hbm>>) dst(%dma_wait3A_37 : memref<640x128xf32, #tpu.memory_space<vmem_shared>>)
        tpu.yield
      }) : () -> ()
    } else {
    }
    %eq3A = arith.constant 15 : i32
    %eq3A_3 = arith.cmpi eq, %arg1, %eq3A : i32
    %convert_element_type3A_4 = arith.extui %eq3A_3 : i1 to i32
    %cond3A_5 = arith.constant 0 : i32
    %cond3A_6 = arith.cmpi ne, %convert_element_type3A_4, %cond3A_5 : i32
    scf.if %cond3A_6 {
      %mul3A_26 = arith.constant 10000 : i32
      %mul3A_27 = arith.muli %arg0, %mul3A_26 : i32
      %add3A_28 = arith.constant 9600 : i32
      %add3A_29 = arith.addi %mul3A_27, %add3A_28 : i32
      "tpu.region"() ({
        %run_scoped3A_30 = tpu.sem_alloc : memref<!tpu.dma_semaphore, #tpu.memory_space<semaphore_mem>>
        %dma_start3A = arith.constant 9600 : i32
        %dma_start3A_31 = arith.constant 0 : i32
        %dma_start3A_32 = tpu.memref_slice %arg10[%dma_start3A, %dma_start3A_31] : memref<10000x128xf32, #tpu.memory_space<vmem_shared>> -> memref<400x128xf32, #tpu.memory_space<vmem_shared>>
        %dma_start3A_33 = arith.constant 0 : i32
        %dma_start3A_34 = tpu.memref_slice %arg2[%add3A_29, %dma_start3A_33] : memref<20000x128xf32, #tpu.memory_space<hbm>> -> memref<400x128xf32, #tpu.memory_space<hbm>>
        tpu.enqueue_dma source(%dma_start3A_34 : memref<400x128xf32, #tpu.memory_space<hbm>>) target(%dma_start3A_32 : memref<400x128xf32, #tpu.memory_space<vmem_shared>>) target_semaphore(%run_scoped3A_30 : memref<!tpu.dma_semaphore, #tpu.memory_space<semaphore_mem>>)
        %dma_wait3A = arith.constant 9600 : i32
        %dma_wait3A_35 = arith.constant 0 : i32
        %dma_wait3A_36 = tpu.memref_slice %arg10[%dma_wait3A, %dma_wait3A_35] : memref<10000x128xf32, #tpu.memory_space<vmem_shared>> -> memref<400x128xf32, #tpu.memory_space<vmem_shared>>
        %dma_wait3A_37 = arith.constant 0 : i32
        %dma_wait3A_38 = tpu.memref_slice %arg2[%add3A_29, %dma_wait3A_37] : memref<20000x128xf32, #tpu.memory_space<hbm>> -> memref<400x128xf32, #tpu.memory_space<hbm>>
        tpu.wait_dma2 semaphore(%run_scoped3A_30 : memref<!tpu.dma_semaphore, #tpu.memory_space<semaphore_mem>>) src(%dma_wait3A_38 : memref<400x128xf32, #tpu.memory_space<hbm>>) dst(%dma_wait3A_36 : memref<400x128xf32, #tpu.memory_space<vmem_shared>>)
        tpu.yield
      }) : () -> ()
    } else {
    }
    %barrier3A = arith.constant 0 : index
    tpu.barrier barrier_id(%barrier3A)
    %run_scoped3A = arith.constant 0 : i32
    %run_scoped3A_7 = arith.constant 0 : i32
    "tpu.region"() ({
      %run_scoped3A_26 = tpu.sem_alloc : memref<!tpu.dma_semaphore, #tpu.memory_space<semaphore_mem>>
      %dma_start3A = arith.constant 0 : i32
      %dma_start3A_27 = arith.constant 0 : i32
      %dma_start3A_28 = tpu.memref_slice %arg6[%run_scoped3A_7, %dma_start3A, %dma_start3A_27] : memref<2x10x100xi32, #tpu.memory_space<vmem>> -> memref<1x10x100xi32, #tpu.memory_space<vmem>>
      %dma_start3A_29 = tpu.memref_squeeze %dma_start3A_28 : memref<1x10x100xi32, #tpu.memory_space<vmem>> -> memref<10x100xi32, #tpu.memory_space<vmem>>
      %dma_start3A_30 = arith.constant 0 : i32
      %dma_start3A_31 = arith.constant 0 : i32
      %dma_start3A_32 = tpu.memref_slice %arg3[%add3A, %run_scoped3A, %dma_start3A_30, %dma_start3A_31] : memref<32x20x10x100xi32, #tpu.memory_space<hbm>> -> memref<1x1x10x100xi32, #tpu.memory_space<hbm>>
      %dma_start3A_33 = tpu.memref_squeeze %dma_start3A_32 : memref<1x1x10x100xi32, #tpu.memory_space<hbm>> -> memref<10x100xi32, #tpu.memory_space<hbm>>
      %dma_start3A_34 = arith.constant 0 : i32
      %dma_start3A_35 = arith.constant 0 : i32
      %dma_start3A_36 = tpu.memref_slice %arg6[%run_scoped3A_7, %dma_start3A_34, %dma_start3A_35] : memref<2x10x100xi32, #tpu.memory_space<vmem>> -> memref<1x10x100xi32, #tpu.memory_space<vmem>>
      %dma_start3A_37 = tpu.memref_squeeze %dma_start3A_36 : memref<1x10x100xi32, #tpu.memory_space<vmem>> -> memref<10x100xi32, #tpu.memory_space<vmem>>
      %dma_start3A_38 = arith.constant 0 : i32
      %dma_start3A_39 = arith.constant 0 : i32
      %dma_start3A_40 = tpu.memref_slice %arg3[%add3A, %run_scoped3A, %dma_start3A_38, %dma_start3A_39] : memref<32x20x10x100xi32, #tpu.memory_space<hbm>> -> memref<1x1x10x100xi32, #tpu.memory_space<hbm>>
      %dma_start3A_41 = tpu.memref_squeeze %dma_start3A_40 : memref<1x1x10x100xi32, #tpu.memory_space<hbm>> -> memref<10x100xi32, #tpu.memory_space<hbm>>
      tpu.enqueue_dma source(%dma_start3A_41 : memref<10x100xi32, #tpu.memory_space<hbm>>) target(%dma_start3A_37 : memref<10x100xi32, #tpu.memory_space<vmem>>) target_semaphore(%run_scoped3A_26 : memref<!tpu.dma_semaphore, #tpu.memory_space<semaphore_mem>>)
      %dma_wait3A = arith.constant 0 : i32
      %dma_wait3A_42 = arith.constant 0 : i32
      %dma_wait3A_43 = tpu.memref_slice %arg6[%run_scoped3A_7, %dma_wait3A, %dma_wait3A_42] : memref<2x10x100xi32, #tpu.memory_space<vmem>> -> memref<1x10x100xi32, #tpu.memory_space<vmem>>
      %dma_wait3A_44 = tpu.memref_squeeze %dma_wait3A_43 : memref<1x10x100xi32, #tpu.memory_space<vmem>> -> memref<10x100xi32, #tpu.memory_space<vmem>>
      %dma_wait3A_45 = arith.constant 0 : i32
      %dma_wait3A_46 = arith.constant 0 : i32
      %dma_wait3A_47 = tpu.memref_slice %arg3[%add3A, %run_scoped3A, %dma_wait3A_45, %dma_wait3A_46] : memref<32x20x10x100xi32, #tpu.memory_space<hbm>> -> memref<1x1x10x100xi32, #tpu.memory_space<hbm>>
      %dma_wait3A_48 = tpu.memref_squeeze %dma_wait3A_47 : memref<1x1x10x100xi32, #tpu.memory_space<hbm>> -> memref<10x100xi32, #tpu.memory_space<hbm>>
      %dma_wait3A_49 = arith.constant 0 : i32
      %dma_wait3A_50 = arith.constant 0 : i32
      %dma_wait3A_51 = tpu.memref_slice %arg6[%run_scoped3A_7, %dma_wait3A_49, %dma_wait3A_50] : memref<2x10x100xi32, #tpu.memory_space<vmem>> -> memref<1x10x100xi32, #tpu.memory_space<vmem>>
      %dma_wait3A_52 = tpu.memref_squeeze %dma_wait3A_51 : memref<1x10x100xi32, #tpu.memory_space<vmem>> -> memref<10x100xi32, #tpu.memory_space<vmem>>
      %dma_wait3A_53 = arith.constant 0 : i32
      %dma_wait3A_54 = arith.constant 0 : i32
      %dma_wait3A_55 = tpu.memref_slice %arg3[%add3A, %run_scoped3A, %dma_wait3A_53, %dma_wait3A_54] : memref<32x20x10x100xi32, #tpu.memory_space<hbm>> -> memref<1x1x10x100xi32, #tpu.memory_space<hbm>>
      %dma_wait3A_56 = tpu.memref_squeeze %dma_wait3A_55 : memref<1x1x10x100xi32, #tpu.memory_space<hbm>> -> memref<10x100xi32, #tpu.memory_space<hbm>>
      tpu.wait_dma2 semaphore(%run_scoped3A_26 : memref<!tpu.dma_semaphore, #tpu.memory_space<semaphore_mem>>) src(%dma_wait3A_56 : memref<10x100xi32, #tpu.memory_space<hbm>>) dst(%dma_wait3A_52 : memref<10x100xi32, #tpu.memory_space<vmem>>)
      tpu.yield
    }) : () -> ()
    %run_scoped3A_8 = arith.constant 0 : i32
    %run_scoped3A_9 = arith.constant 0 : i32
    "tpu.region"() ({
      %run_scoped3A_26 = tpu.sem_alloc : memref<!tpu.dma_semaphore, #tpu.memory_space<semaphore_mem>>
      %dma_start3A = arith.constant 0 : i32
      %dma_start3A_27 = arith.constant 0 : i32
      %dma_start3A_28 = tpu.memref_slice %arg7[%run_scoped3A_9, %dma_start3A, %dma_start3A_27] : memref<2x10x100xi32, #tpu.memory_space<vmem>> -> memref<1x10x100xi32, #tpu.memory_space<vmem>>
      %dma_start3A_29 = tpu.memref_squeeze %dma_start3A_28 : memref<1x10x100xi32, #tpu.memory_space<vmem>> -> memref<10x100xi32, #tpu.memory_space<vmem>>
      %dma_start3A_30 = arith.constant 0 : i32
      %dma_start3A_31 = arith.constant 0 : i32
      %dma_start3A_32 = tpu.memref_slice %arg4[%add3A, %run_scoped3A_8, %dma_start3A_30, %dma_start3A_31] : memref<32x20x10x100xi32, #tpu.memory_space<hbm>> -> memref<1x1x10x100xi32, #tpu.memory_space<hbm>>
      %dma_start3A_33 = tpu.memref_squeeze %dma_start3A_32 : memref<1x1x10x100xi32, #tpu.memory_space<hbm>> -> memref<10x100xi32, #tpu.memory_space<hbm>>
      %dma_start3A_34 = arith.constant 0 : i32
      %dma_start3A_35 = arith.constant 0 : i32
      %dma_start3A_36 = tpu.memref_slice %arg7[%run_scoped3A_9, %dma_start3A_34, %dma_start3A_35] : memref<2x10x100xi32, #tpu.memory_space<vmem>> -> memref<1x10x100xi32, #tpu.memory_space<vmem>>
      %dma_start3A_37 = tpu.memref_squeeze %dma_start3A_36 : memref<1x10x100xi32, #tpu.memory_space<vmem>> -> memref<10x100xi32, #tpu.memory_space<vmem>>
      %dma_start3A_38 = arith.constant 0 : i32
      %dma_start3A_39 = arith.constant 0 : i32
      %dma_start3A_40 = tpu.memref_slice %arg4[%add3A, %run_scoped3A_8, %dma_start3A_38, %dma_start3A_39] : memref<32x20x10x100xi32, #tpu.memory_space<hbm>> -> memref<1x1x10x100xi32, #tpu.memory_space<hbm>>
      %dma_start3A_41 = tpu.memref_squeeze %dma_start3A_40 : memref<1x1x10x100xi32, #tpu.memory_space<hbm>> -> memref<10x100xi32, #tpu.memory_space<hbm>>
      tpu.enqueue_dma source(%dma_start3A_41 : memref<10x100xi32, #tpu.memory_space<hbm>>) target(%dma_start3A_37 : memref<10x100xi32, #tpu.memory_space<vmem>>) target_semaphore(%run_scoped3A_26 : memref<!tpu.dma_semaphore, #tpu.memory_space<semaphore_mem>>)
      %dma_wait3A = arith.constant 0 : i32
      %dma_wait3A_42 = arith.constant 0 : i32
      %dma_wait3A_43 = tpu.memref_slice %arg7[%run_scoped3A_9, %dma_wait3A, %dma_wait3A_42] : memref<2x10x100xi32, #tpu.memory_space<vmem>> -> memref<1x10x100xi32, #tpu.memory_space<vmem>>
      %dma_wait3A_44 = tpu.memref_squeeze %dma_wait3A_43 : memref<1x10x100xi32, #tpu.memory_space<vmem>> -> memref<10x100xi32, #tpu.memory_space<vmem>>
      %dma_wait3A_45 = arith.constant 0 : i32
      %dma_wait3A_46 = arith.constant 0 : i32
      %dma_wait3A_47 = tpu.memref_slice %arg4[%add3A, %run_scoped3A_8, %dma_wait3A_45, %dma_wait3A_46] : memref<32x20x10x100xi32, #tpu.memory_space<hbm>> -> memref<1x1x10x100xi32, #tpu.memory_space<hbm>>
      %dma_wait3A_48 = tpu.memref_squeeze %dma_wait3A_47 : memref<1x1x10x100xi32, #tpu.memory_space<hbm>> -> memref<10x100xi32, #tpu.memory_space<hbm>>
      %dma_wait3A_49 = arith.constant 0 : i32
      %dma_wait3A_50 = arith.constant 0 : i32
      %dma_wait3A_51 = tpu.memref_slice %arg7[%run_scoped3A_9, %dma_wait3A_49, %dma_wait3A_50] : memref<2x10x100xi32, #tpu.memory_space<vmem>> -> memref<1x10x100xi32, #tpu.memory_space<vmem>>
      %dma_wait3A_52 = tpu.memref_squeeze %dma_wait3A_51 : memref<1x10x100xi32, #tpu.memory_space<vmem>> -> memref<10x100xi32, #tpu.memory_space<vmem>>
      %dma_wait3A_53 = arith.constant 0 : i32
      %dma_wait3A_54 = arith.constant 0 : i32
      %dma_wait3A_55 = tpu.memref_slice %arg4[%add3A, %run_scoped3A_8, %dma_wait3A_53, %dma_wait3A_54] : memref<32x20x10x100xi32, #tpu.memory_space<hbm>> -> memref<1x1x10x100xi32, #tpu.memory_space<hbm>>
      %dma_wait3A_56 = tpu.memref_squeeze %dma_wait3A_55 : memref<1x1x10x100xi32, #tpu.memory_space<hbm>> -> memref<10x100xi32, #tpu.memory_space<hbm>>
      tpu.wait_dma2 semaphore(%run_scoped3A_26 : memref<!tpu.dma_semaphore, #tpu.memory_space<semaphore_mem>>) src(%dma_wait3A_56 : memref<10x100xi32, #tpu.memory_space<hbm>>) dst(%dma_wait3A_52 : memref<10x100xi32, #tpu.memory_space<vmem>>)
      tpu.yield
    }) : () -> ()
    %scan3A = arith.constant 0 : i32
    %scan3A_10 = arith.constant 0 : i32
    %scan3A_11 = arith.constant 20 : i32
    %scan3A_12 = arith.addi %scan3A_10, %scan3A_11 : i32
    %scan3A_13 = arith.constant 1 : i32
    scf.for %scan3A_26 = %scan3A_10 to %scan3A_12 step %scan3A_13  : i32 {
      %rem3A = arith.constant 2 : i32
      %rem3A_27 = arith.remsi %scan3A_26, %rem3A : i32
      %lt3A_28 = arith.constant 19 : i32
      %lt3A_29 = arith.cmpi slt, %scan3A_26, %lt3A_28 : i32
      %convert_element_type3A_30 = arith.extui %lt3A_29 : i1 to i32
      %cond3A_31 = arith.constant 0 : i32
      %cond3A_32 = arith.cmpi ne, %convert_element_type3A_30, %cond3A_31 : i32
      scf.if %cond3A_32 {
        %add3A_54 = arith.constant 1 : i32
        %add3A_55 = arith.addi %scan3A_26, %add3A_54 : i32
        %sub3A = arith.constant 1 : i32
        %sub3A_56 = arith.subi %sub3A, %rem3A_27 : i32
        %dma_start3A_57 = arith.constant 0 : i32
        %dma_start3A_58 = arith.constant 0 : i32
        %dma_start3A_59 = tpu.memref_slice %arg6[%sub3A_56, %dma_start3A_57, %dma_start3A_58] : memref<2x10x100xi32, #tpu.memory_space<vmem>> -> memref<1x10x100xi32, #tpu.memory_space<vmem>>
        %dma_start3A_60 = tpu.memref_squeeze %dma_start3A_59 : memref<1x10x100xi32, #tpu.memory_space<vmem>> -> memref<10x100xi32, #tpu.memory_space<vmem>>
        %dma_start3A_61 = arith.constant 0 : i32
        %dma_start3A_62 = arith.constant 0 : i32
        %dma_start3A_63 = tpu.memref_slice %arg3[%add3A, %add3A_55, %dma_start3A_61, %dma_start3A_62] : memref<32x20x10x100xi32, #tpu.memory_space<hbm>> -> memref<1x1x10x100xi32, #tpu.memory_space<hbm>>
        %dma_start3A_64 = tpu.memref_squeeze %dma_start3A_63 : memref<1x1x10x100xi32, #tpu.memory_space<hbm>> -> memref<10x100xi32, #tpu.memory_space<hbm>>
        %dma_start3A_65 = arith.constant 0 : i32
        %dma_start3A_66 = arith.constant 0 : i32
        %dma_start3A_67 = tpu.memref_slice %arg6[%sub3A_56, %dma_start3A_65, %dma_start3A_66] : memref<2x10x100xi32, #tpu.memory_space<vmem>> -> memref<1x10x100xi32, #tpu.memory_space<vmem>>
        %dma_start3A_68 = tpu.memref_squeeze %dma_start3A_67 : memref<1x10x100xi32, #tpu.memory_space<vmem>> -> memref<10x100xi32, #tpu.memory_space<vmem>>
        %dma_start3A_69 = arith.constant 0 : i32
        %dma_start3A_70 = arith.constant 0 : i32
        %dma_start3A_71 = tpu.memref_slice %arg3[%add3A, %add3A_55, %dma_start3A_69, %dma_start3A_70] : memref<32x20x10x100xi32, #tpu.memory_space<hbm>> -> memref<1x1x10x100xi32, #tpu.memory_space<hbm>>
        %dma_start3A_72 = tpu.memref_squeeze %dma_start3A_71 : memref<1x1x10x100xi32, #tpu.memory_space<hbm>> -> memref<10x100xi32, #tpu.memory_space<hbm>>
        tpu.enqueue_dma source(%dma_start3A_72 : memref<10x100xi32, #tpu.memory_space<hbm>>) target(%dma_start3A_68 : memref<10x100xi32, #tpu.memory_space<vmem>>) target_semaphore(%arg13 : memref<!tpu.dma_semaphore, #tpu.memory_space<semaphore_mem>>)
        %add3A_73 = arith.constant 1 : i32
        %add3A_74 = arith.addi %scan3A_26, %add3A_73 : i32
        %sub3A_75 = arith.constant 1 : i32
        %sub3A_76 = arith.subi %sub3A_75, %rem3A_27 : i32
        %dma_start3A_77 = arith.constant 0 : i32
        %dma_start3A_78 = arith.constant 0 : i32
        %dma_start3A_79 = tpu.memref_slice %arg7[%sub3A_76, %dma_start3A_77, %dma_start3A_78] : memref<2x10x100xi32, #tpu.memory_space<vmem>> -> memref<1x10x100xi32, #tpu.memory_space<vmem>>
        %dma_start3A_80 = tpu.memref_squeeze %dma_start3A_79 : memref<1x10x100xi32, #tpu.memory_space<vmem>> -> memref<10x100xi32, #tpu.memory_space<vmem>>
        %dma_start3A_81 = arith.constant 0 : i32
        %dma_start3A_82 = arith.constant 0 : i32
        %dma_start3A_83 = tpu.memref_slice %arg4[%add3A, %add3A_74, %dma_start3A_81, %dma_start3A_82] : memref<32x20x10x100xi32, #tpu.memory_space<hbm>> -> memref<1x1x10x100xi32, #tpu.memory_space<hbm>>
        %dma_start3A_84 = tpu.memref_squeeze %dma_start3A_83 : memref<1x1x10x100xi32, #tpu.memory_space<hbm>> -> memref<10x100xi32, #tpu.memory_space<hbm>>
        %dma_start3A_85 = arith.constant 0 : i32
        %dma_start3A_86 = arith.constant 0 : i32
        %dma_start3A_87 = tpu.memref_slice %arg7[%sub3A_76, %dma_start3A_85, %dma_start3A_86] : memref<2x10x100xi32, #tpu.memory_space<vmem>> -> memref<1x10x100xi32, #tpu.memory_space<vmem>>
        %dma_start3A_88 = tpu.memref_squeeze %dma_start3A_87 : memref<1x10x100xi32, #tpu.memory_space<vmem>> -> memref<10x100xi32, #tpu.memory_space<vmem>>
        %dma_start3A_89 = arith.constant 0 : i32
        %dma_start3A_90 = arith.constant 0 : i32
        %dma_start3A_91 = tpu.memref_slice %arg4[%add3A, %add3A_74, %dma_start3A_89, %dma_start3A_90] : memref<32x20x10x100xi32, #tpu.memory_space<hbm>> -> memref<1x1x10x100xi32, #tpu.memory_space<hbm>>
        %dma_start3A_92 = tpu.memref_squeeze %dma_start3A_91 : memref<1x1x10x100xi32, #tpu.memory_space<hbm>> -> memref<10x100xi32, #tpu.memory_space<hbm>>
        tpu.enqueue_dma source(%dma_start3A_92 : memref<10x100xi32, #tpu.memory_space<hbm>>) target(%dma_start3A_88 : memref<10x100xi32, #tpu.memory_space<vmem>>) target_semaphore(%arg13 : memref<!tpu.dma_semaphore, #tpu.memory_space<semaphore_mem>>)
      } else {
      }
      %dma_start3A = arith.constant 0 : i32
      %dma_start3A_33 = arith.constant 0 : i32
      %dma_start3A_34 = arith.constant 0 : i32
      %dma_start3A_35 = tpu.memref_slice %arg6[%rem3A_27, %dma_start3A_33, %dma_start3A_34] : memref<2x10x100xi32, #tpu.memory_space<vmem>> -> memref<1x10x100xi32, #tpu.memory_space<vmem>>
      %dma_start3A_36 = tpu.memref_squeeze %dma_start3A_35 : memref<1x10x100xi32, #tpu.memory_space<vmem>> -> memref<10x100xi32, #tpu.memory_space<vmem>>
      %dma_start3A_37 = arith.constant 0 : i32
      %dma_start3A_38 = tpu.memref_slice %dma_start3A_36[%dma_start3A, %dma_start3A_37] : memref<10x100xi32, #tpu.memory_space<vmem>> -> memref<1x100xi32, #tpu.memory_space<vmem>>
      %dma_start3A_39 = tpu.memref_squeeze %dma_start3A_38 : memref<1x100xi32, #tpu.memory_space<vmem>> -> memref<100xi32, #tpu.memory_space<vmem>>
      %dma_start3A_40 = arith.constant 0 : i32
      %dma_start3A_41 = arith.constant 0 : i32
      %dma_start3A_42 = tpu.memref_slice %arg2[%dma_start3A_40, %dma_start3A_41] : memref<20000x128xf32, #tpu.memory_space<hbm>> -> memref<20000x128xf32, #tpu.memory_space<hbm>>
      tpu.enqueue_indirect_dma source(%dma_start3A_42 : memref<20000x128xf32, #tpu.memory_space<hbm>>) target(%arg8 : memref<100x128xf32, #tpu.memory_space<vmem>>) offsets(%dma_start3A_39 : memref<100xi32, #tpu.memory_space<vmem>>) semaphore(%arg11 : memref<!tpu.dma_semaphore, #tpu.memory_space<semaphore_mem>>)
      %scan3A_43 = arith.constant 0 : i32
      %scan3A_44 = arith.constant 0 : i32
      %scan3A_45 = arith.constant 5 : i32
      %scan3A_46 = arith.addi %scan3A_44, %scan3A_45 : i32
      %scan3A_47 = arith.constant 1 : i32
      scf.for %scan3A_54 = %scan3A_44 to %scan3A_46 step %scan3A_47  : i32 {
        %mul3A_55 = arith.constant 2 : i32
        %mul3A_56 = arith.muli %mul3A_55, %scan3A_54 : i32
        %add3A_57 = arith.constant 1 : i32
        %add3A_58 = arith.addi %mul3A_56, %add3A_57 : i32
        %dma_start3A_59 = arith.constant 0 : i32
        %dma_start3A_60 = arith.constant 0 : i32
        %dma_start3A_61 = tpu.memref_slice %arg6[%rem3A_27, %dma_start3A_59, %dma_start3A_60] : memref<2x10x100xi32, #tpu.memory_space<vmem>> -> memref<1x10x100xi32, #tpu.memory_space<vmem>>
        %dma_start3A_62 = tpu.memref_squeeze %dma_start3A_61 : memref<1x10x100xi32, #tpu.memory_space<vmem>> -> memref<10x100xi32, #tpu.memory_space<vmem>>
        %dma_start3A_63 = arith.constant 0 : i32
        %dma_start3A_64 = tpu.memref_slice %dma_start3A_62[%add3A_58, %dma_start3A_63] : memref<10x100xi32, #tpu.memory_space<vmem>> -> memref<1x100xi32, #tpu.memory_space<vmem>>
        %dma_start3A_65 = tpu.memref_squeeze %dma_start3A_64 : memref<1x100xi32, #tpu.memory_space<vmem>> -> memref<100xi32, #tpu.memory_space<vmem>>
        %dma_start3A_66 = arith.constant 0 : i32
        %dma_start3A_67 = arith.constant 0 : i32
        %dma_start3A_68 = tpu.memref_slice %arg2[%dma_start3A_66, %dma_start3A_67] : memref<20000x128xf32, #tpu.memory_space<hbm>> -> memref<20000x128xf32, #tpu.memory_space<hbm>>
        tpu.enqueue_indirect_dma source(%dma_start3A_68 : memref<20000x128xf32, #tpu.memory_space<hbm>>) target(%arg9 : memref<100x128xf32, #tpu.memory_space<vmem>>) offsets(%dma_start3A_65 : memref<100xi32, #tpu.memory_space<vmem>>) semaphore(%arg12 : memref<!tpu.dma_semaphore, #tpu.memory_space<semaphore_mem>>)
        %dma_wait3A = arith.constant 0 : i32
        %dma_wait3A_69 = arith.constant 0 : i32
        %dma_wait3A_70 = tpu.memref_slice %arg6[%rem3A_27, %dma_wait3A, %dma_wait3A_69] : memref<2x10x100xi32, #tpu.memory_space<vmem>> -> memref<1x10x100xi32, #tpu.memory_space<vmem>>
        %dma_wait3A_71 = tpu.memref_squeeze %dma_wait3A_70 : memref<1x10x100xi32, #tpu.memory_space<vmem>> -> memref<10x100xi32, #tpu.memory_space<vmem>>
        %dma_wait3A_72 = arith.constant 0 : i32
        %dma_wait3A_73 = tpu.memref_slice %dma_wait3A_71[%mul3A_56, %dma_wait3A_72] : memref<10x100xi32, #tpu.memory_space<vmem>> -> memref<1x100xi32, #tpu.memory_space<vmem>>
        %dma_wait3A_74 = tpu.memref_squeeze %dma_wait3A_73 : memref<1x100xi32, #tpu.memory_space<vmem>> -> memref<100xi32, #tpu.memory_space<vmem>>
        %dma_wait3A_75 = arith.constant 0 : i32
        %dma_wait3A_76 = arith.constant 0 : i32
        %dma_wait3A_77 = tpu.memref_slice %arg2[%dma_wait3A_75, %dma_wait3A_76] : memref<20000x128xf32, #tpu.memory_space<hbm>> -> memref<20000x128xf32, #tpu.memory_space<hbm>>
        tpu.wait_indirect_dma semaphore(%arg11 : memref<!tpu.dma_semaphore, #tpu.memory_space<semaphore_mem>>) src(%dma_wait3A_77 : memref<20000x128xf32, #tpu.memory_space<hbm>>) dst(%arg8 : memref<100x128xf32, #tpu.memory_space<vmem>>)
        "tpu.region"() ({
          %run_scoped3A_97 = tpu.sem_alloc : memref<!tpu.dma_semaphore, #tpu.memory_space<semaphore_mem>>
          %dma_start3A_98 = arith.constant 0 : i32
          %dma_start3A_99 = arith.constant 0 : i32
          %dma_start3A_100 = tpu.memref_slice %arg7[%rem3A_27, %dma_start3A_98, %dma_start3A_99] : memref<2x10x100xi32, #tpu.memory_space<vmem>> -> memref<1x10x100xi32, #tpu.memory_space<vmem>>
          %dma_start3A_101 = tpu.memref_squeeze %dma_start3A_100 : memref<1x10x100xi32, #tpu.memory_space<vmem>> -> memref<10x100xi32, #tpu.memory_space<vmem>>
          %dma_start3A_102 = arith.constant 0 : i32
          %dma_start3A_103 = tpu.memref_slice %dma_start3A_101[%mul3A_56, %dma_start3A_102] : memref<10x100xi32, #tpu.memory_space<vmem>> -> memref<1x100xi32, #tpu.memory_space<vmem>>
          %dma_start3A_104 = tpu.memref_squeeze %dma_start3A_103 : memref<1x100xi32, #tpu.memory_space<vmem>> -> memref<100xi32, #tpu.memory_space<vmem>>
          %dma_start3A_105 = arith.constant 0 : i32
          %dma_start3A_106 = arith.constant 0 : i32
          %dma_start3A_107 = tpu.memref_slice %arg10[%dma_start3A_105, %dma_start3A_106] : memref<10000x128xf32, #tpu.memory_space<vmem_shared>> -> memref<10000x128xf32, #tpu.memory_space<vmem_shared>>
          tpu.enqueue_indirect_dma source(%arg8 : memref<100x128xf32, #tpu.memory_space<vmem>>) target(%dma_start3A_107 : memref<10000x128xf32, #tpu.memory_space<vmem_shared>>) offsets(%dma_start3A_104 : memref<100xi32, #tpu.memory_space<vmem>>) semaphore(%run_scoped3A_97 : memref<!tpu.dma_semaphore, #tpu.memory_space<semaphore_mem>>) {add = true}
          %dma_wait3A_108 = arith.constant 0 : i32
          %dma_wait3A_109 = arith.constant 0 : i32
          %dma_wait3A_110 = tpu.memref_slice %arg7[%rem3A_27, %dma_wait3A_108, %dma_wait3A_109] : memref<2x10x100xi32, #tpu.memory_space<vmem>> -> memref<1x10x100xi32, #tpu.memory_space<vmem>>
          %dma_wait3A_111 = tpu.memref_squeeze %dma_wait3A_110 : memref<1x10x100xi32, #tpu.memory_space<vmem>> -> memref<10x100xi32, #tpu.memory_space<vmem>>
          %dma_wait3A_112 = arith.constant 0 : i32
          %dma_wait3A_113 = tpu.memref_slice %dma_wait3A_111[%mul3A_56, %dma_wait3A_112] : memref<10x100xi32, #tpu.memory_space<vmem>> -> memref<1x100xi32, #tpu.memory_space<vmem>>
          %dma_wait3A_114 = tpu.memref_squeeze %dma_wait3A_113 : memref<1x100xi32, #tpu.memory_space<vmem>> -> memref<100xi32, #tpu.memory_space<vmem>>
          %dma_wait3A_115 = arith.constant 0 : i32
          %dma_wait3A_116 = arith.constant 0 : i32
          %dma_wait3A_117 = tpu.memref_slice %arg10[%dma_wait3A_115, %dma_wait3A_116] : memref<10000x128xf32, #tpu.memory_space<vmem_shared>> -> memref<10000x128xf32, #tpu.memory_space<vmem_shared>>
          tpu.wait_indirect_dma semaphore(%run_scoped3A_97 : memref<!tpu.dma_semaphore, #tpu.memory_space<semaphore_mem>>) src(%arg8 : memref<100x128xf32, #tpu.memory_space<vmem>>) dst(%dma_wait3A_117 : memref<10000x128xf32, #tpu.memory_space<vmem_shared>>)
          tpu.yield
        }) : () -> ()
        %lt3A_78 = arith.constant 4 : i32
        %lt3A_79 = arith.cmpi slt, %scan3A_54, %lt3A_78 : i32
        %convert_element_type3A_80 = arith.extui %lt3A_79 : i1 to i32
        %cond3A_81 = arith.constant 0 : i32
        %cond3A_82 = arith.cmpi ne, %convert_element_type3A_80, %cond3A_81 : i32
        scf.if %cond3A_82 {
          %add3A_97 = arith.constant 2 : i32
          %add3A_98 = arith.addi %mul3A_56, %add3A_97 : i32
          %dma_start3A_99 = arith.constant 0 : i32
          %dma_start3A_100 = arith.constant 0 : i32
          %dma_start3A_101 = tpu.memref_slice %arg6[%rem3A_27, %dma_start3A_99, %dma_start3A_100] : memref<2x10x100xi32, #tpu.memory_space<vmem>> -> memref<1x10x100xi32, #tpu.memory_space<vmem>>
          %dma_start3A_102 = tpu.memref_squeeze %dma_start3A_101 : memref<1x10x100xi32, #tpu.memory_space<vmem>> -> memref<10x100xi32, #tpu.memory_space<vmem>>
          %dma_start3A_103 = arith.constant 0 : i32
          %dma_start3A_104 = tpu.memref_slice %dma_start3A_102[%add3A_98, %dma_start3A_103] : memref<10x100xi32, #tpu.memory_space<vmem>> -> memref<1x100xi32, #tpu.memory_space<vmem>>
          %dma_start3A_105 = tpu.memref_squeeze %dma_start3A_104 : memref<1x100xi32, #tpu.memory_space<vmem>> -> memref<100xi32, #tpu.memory_space<vmem>>
          %dma_start3A_106 = arith.constant 0 : i32
          %dma_start3A_107 = arith.constant 0 : i32
          %dma_start3A_108 = tpu.memref_slice %arg2[%dma_start3A_106, %dma_start3A_107] : memref<20000x128xf32, #tpu.memory_space<hbm>> -> memref<20000x128xf32, #tpu.memory_space<hbm>>
          tpu.enqueue_indirect_dma source(%dma_start3A_108 : memref<20000x128xf32, #tpu.memory_space<hbm>>) target(%arg8 : memref<100x128xf32, #tpu.memory_space<vmem>>) offsets(%dma_start3A_105 : memref<100xi32, #tpu.memory_space<vmem>>) semaphore(%arg11 : memref<!tpu.dma_semaphore, #tpu.memory_space<semaphore_mem>>)
        } else {
        }
        %add3A_83 = arith.constant 1 : i32
        %add3A_84 = arith.addi %mul3A_56, %add3A_83 : i32
        %dma_wait3A_85 = arith.constant 0 : i32
        %dma_wait3A_86 = arith.constant 0 : i32
        %dma_wait3A_87 = tpu.memref_slice %arg6[%rem3A_27, %dma_wait3A_85, %dma_wait3A_86] : memref<2x10x100xi32, #tpu.memory_space<vmem>> -> memref<1x10x100xi32, #tpu.memory_space<vmem>>
        %dma_wait3A_88 = tpu.memref_squeeze %dma_wait3A_87 : memref<1x10x100xi32, #tpu.memory_space<vmem>> -> memref<10x100xi32, #tpu.memory_space<vmem>>
        %dma_wait3A_89 = arith.constant 0 : i32
        %dma_wait3A_90 = tpu.memref_slice %dma_wait3A_88[%add3A_84, %dma_wait3A_89] : memref<10x100xi32, #tpu.memory_space<vmem>> -> memref<1x100xi32, #tpu.memory_space<vmem>>
        %dma_wait3A_91 = tpu.memref_squeeze %dma_wait3A_90 : memref<1x100xi32, #tpu.memory_space<vmem>> -> memref<100xi32, #tpu.memory_space<vmem>>
        %dma_wait3A_92 = arith.constant 0 : i32
        %dma_wait3A_93 = arith.constant 0 : i32
        %dma_wait3A_94 = tpu.memref_slice %arg2[%dma_wait3A_92, %dma_wait3A_93] : memref<20000x128xf32, #tpu.memory_space<hbm>> -> memref<20000x128xf32, #tpu.memory_space<hbm>>
        tpu.wait_indirect_dma semaphore(%arg12 : memref<!tpu.dma_semaphore, #tpu.memory_space<semaphore_mem>>) src(%dma_wait3A_94 : memref<20000x128xf32, #tpu.memory_space<hbm>>) dst(%arg9 : memref<100x128xf32, #tpu.memory_space<vmem>>)
        %add3A_95 = arith.constant 1 : i32
        %add3A_96 = arith.addi %mul3A_56, %add3A_95 : i32
        "tpu.region"() ({
          %run_scoped3A_97 = tpu.sem_alloc : memref<!tpu.dma_semaphore, #tpu.memory_space<semaphore_mem>>
          %dma_start3A_98 = arith.constant 0 : i32
          %dma_start3A_99 = arith.constant 0 : i32
          %dma_start3A_100 = tpu.memref_slice %arg7[%rem3A_27, %dma_start3A_98, %dma_start3A_99] : memref<2x10x100xi32, #tpu.memory_space<vmem>> -> memref<1x10x100xi32, #tpu.memory_space<vmem>>
          %dma_start3A_101 = tpu.memref_squeeze %dma_start3A_100 : memref<1x10x100xi32, #tpu.memory_space<vmem>> -> memref<10x100xi32, #tpu.memory_space<vmem>>
          %dma_start3A_102 = arith.constant 0 : i32
          %dma_start3A_103 = tpu.memref_slice %dma_start3A_101[%add3A_96, %dma_start3A_102] : memref<10x100xi32, #tpu.memory_space<vmem>> -> memref<1x100xi32, #tpu.memory_space<vmem>>
          %dma_start3A_104 = tpu.memref_squeeze %dma_start3A_103 : memref<1x100xi32, #tpu.memory_space<vmem>> -> memref<100xi32, #tpu.memory_space<vmem>>
          %dma_start3A_105 = arith.constant 0 : i32
          %dma_start3A_106 = arith.constant 0 : i32
          %dma_start3A_107 = tpu.memref_slice %arg10[%dma_start3A_105, %dma_start3A_106] : memref<10000x128xf32, #tpu.memory_space<vmem_shared>> -> memref<10000x128xf32, #tpu.memory_space<vmem_shared>>
          tpu.enqueue_indirect_dma source(%arg9 : memref<100x128xf32, #tpu.memory_space<vmem>>) target(%dma_start3A_107 : memref<10000x128xf32, #tpu.memory_space<vmem_shared>>) offsets(%dma_start3A_104 : memref<100xi32, #tpu.memory_space<vmem>>) semaphore(%run_scoped3A_97 : memref<!tpu.dma_semaphore, #tpu.memory_space<semaphore_mem>>) {add = true}
          %dma_wait3A_108 = arith.constant 0 : i32
          %dma_wait3A_109 = arith.constant 0 : i32
          %dma_wait3A_110 = tpu.memref_slice %arg7[%rem3A_27, %dma_wait3A_108, %dma_wait3A_109] : memref<2x10x100xi32, #tpu.memory_space<vmem>> -> memref<1x10x100xi32, #tpu.memory_space<vmem>>
          %dma_wait3A_111 = tpu.memref_squeeze %dma_wait3A_110 : memref<1x10x100xi32, #tpu.memory_space<vmem>> -> memref<10x100xi32, #tpu.memory_space<vmem>>
          %dma_wait3A_112 = arith.constant 0 : i32
          %dma_wait3A_113 = tpu.memref_slice %dma_wait3A_111[%add3A_96, %dma_wait3A_112] : memref<10x100xi32, #tpu.memory_space<vmem>> -> memref<1x100xi32, #tpu.memory_space<vmem>>
          %dma_wait3A_114 = tpu.memref_squeeze %dma_wait3A_113 : memref<1x100xi32, #tpu.memory_space<vmem>> -> memref<100xi32, #tpu.memory_space<vmem>>
          %dma_wait3A_115 = arith.constant 0 : i32
          %dma_wait3A_116 = arith.constant 0 : i32
          %dma_wait3A_117 = tpu.memref_slice %arg10[%dma_wait3A_115, %dma_wait3A_116] : memref<10000x128xf32, #tpu.memory_space<vmem_shared>> -> memref<10000x128xf32, #tpu.memory_space<vmem_shared>>
          tpu.wait_indirect_dma semaphore(%run_scoped3A_97 : memref<!tpu.dma_semaphore, #tpu.memory_space<semaphore_mem>>) src(%arg9 : memref<100x128xf32, #tpu.memory_space<vmem>>) dst(%dma_wait3A_117 : memref<10000x128xf32, #tpu.memory_space<vmem_shared>>)
          tpu.yield
        }) : () -> ()
      }
      %scan3A_48 = arith.constant 5 : i32
      %lt3A_49 = arith.constant 19 : i32
      %lt3A_50 = arith.cmpi slt, %scan3A_26, %lt3A_49 : i32
      %convert_element_type3A_51 = arith.extui %lt3A_50 : i1 to i32
      %cond3A_52 = arith.constant 0 : i32
      %cond3A_53 = arith.cmpi ne, %convert_element_type3A_51, %cond3A_52 : i32
      scf.if %cond3A_53 {
        %add3A_54 = arith.constant 1 : i32
        %add3A_55 = arith.addi %scan3A_26, %add3A_54 : i32
        %sub3A = arith.constant 1 : i32
        %sub3A_56 = arith.subi %sub3A, %rem3A_27 : i32
        %dma_wait3A = arith.constant 0 : i32
        %dma_wait3A_57 = arith.constant 0 : i32
        %dma_wait3A_58 = tpu.memref_slice %arg6[%sub3A_56, %dma_wait3A, %dma_wait3A_57] : memref<2x10x100xi32, #tpu.memory_space<vmem>> -> memref<1x10x100xi32, #tpu.memory_space<vmem>>
        %dma_wait3A_59 = tpu.memref_squeeze %dma_wait3A_58 : memref<1x10x100xi32, #tpu.memory_space<vmem>> -> memref<10x100xi32, #tpu.memory_space<vmem>>
        %dma_wait3A_60 = arith.constant 0 : i32
        %dma_wait3A_61 = arith.constant 0 : i32
        %dma_wait3A_62 = tpu.memref_slice %arg3[%add3A, %add3A_55, %dma_wait3A_60, %dma_wait3A_61] : memref<32x20x10x100xi32, #tpu.memory_space<hbm>> -> memref<1x1x10x100xi32, #tpu.memory_space<hbm>>
        %dma_wait3A_63 = tpu.memref_squeeze %dma_wait3A_62 : memref<1x1x10x100xi32, #tpu.memory_space<hbm>> -> memref<10x100xi32, #tpu.memory_space<hbm>>
        %dma_wait3A_64 = arith.constant 0 : i32
        %dma_wait3A_65 = arith.constant 0 : i32
        %dma_wait3A_66 = tpu.memref_slice %arg6[%sub3A_56, %dma_wait3A_64, %dma_wait3A_65] : memref<2x10x100xi32, #tpu.memory_space<vmem>> -> memref<1x10x100xi32, #tpu.memory_space<vmem>>
        %dma_wait3A_67 = tpu.memref_squeeze %dma_wait3A_66 : memref<1x10x100xi32, #tpu.memory_space<vmem>> -> memref<10x100xi32, #tpu.memory_space<vmem>>
        %dma_wait3A_68 = arith.constant 0 : i32
        %dma_wait3A_69 = arith.constant 0 : i32
        %dma_wait3A_70 = tpu.memref_slice %arg3[%add3A, %add3A_55, %dma_wait3A_68, %dma_wait3A_69] : memref<32x20x10x100xi32, #tpu.memory_space<hbm>> -> memref<1x1x10x100xi32, #tpu.memory_space<hbm>>
        %dma_wait3A_71 = tpu.memref_squeeze %dma_wait3A_70 : memref<1x1x10x100xi32, #tpu.memory_space<hbm>> -> memref<10x100xi32, #tpu.memory_space<hbm>>
        tpu.wait_dma2 semaphore(%arg13 : memref<!tpu.dma_semaphore, #tpu.memory_space<semaphore_mem>>) src(%dma_wait3A_71 : memref<10x100xi32, #tpu.memory_space<hbm>>) dst(%dma_wait3A_67 : memref<10x100xi32, #tpu.memory_space<vmem>>)
        %add3A_72 = arith.constant 1 : i32
        %add3A_73 = arith.addi %scan3A_26, %add3A_72 : i32
        %sub3A_74 = arith.constant 1 : i32
        %sub3A_75 = arith.subi %sub3A_74, %rem3A_27 : i32
        %dma_wait3A_76 = arith.constant 0 : i32
        %dma_wait3A_77 = arith.constant 0 : i32
        %dma_wait3A_78 = tpu.memref_slice %arg7[%sub3A_75, %dma_wait3A_76, %dma_wait3A_77] : memref<2x10x100xi32, #tpu.memory_space<vmem>> -> memref<1x10x100xi32, #tpu.memory_space<vmem>>
        %dma_wait3A_79 = tpu.memref_squeeze %dma_wait3A_78 : memref<1x10x100xi32, #tpu.memory_space<vmem>> -> memref<10x100xi32, #tpu.memory_space<vmem>>
        %dma_wait3A_80 = arith.constant 0 : i32
        %dma_wait3A_81 = arith.constant 0 : i32
        %dma_wait3A_82 = tpu.memref_slice %arg4[%add3A, %add3A_73, %dma_wait3A_80, %dma_wait3A_81] : memref<32x20x10x100xi32, #tpu.memory_space<hbm>> -> memref<1x1x10x100xi32, #tpu.memory_space<hbm>>
        %dma_wait3A_83 = tpu.memref_squeeze %dma_wait3A_82 : memref<1x1x10x100xi32, #tpu.memory_space<hbm>> -> memref<10x100xi32, #tpu.memory_space<hbm>>
        %dma_wait3A_84 = arith.constant 0 : i32
        %dma_wait3A_85 = arith.constant 0 : i32
        %dma_wait3A_86 = tpu.memref_slice %arg7[%sub3A_75, %dma_wait3A_84, %dma_wait3A_85] : memref<2x10x100xi32, #tpu.memory_space<vmem>> -> memref<1x10x100xi32, #tpu.memory_space<vmem>>
        %dma_wait3A_87 = tpu.memref_squeeze %dma_wait3A_86 : memref<1x10x100xi32, #tpu.memory_space<vmem>> -> memref<10x100xi32, #tpu.memory_space<vmem>>
        %dma_wait3A_88 = arith.constant 0 : i32
        %dma_wait3A_89 = arith.constant 0 : i32
        %dma_wait3A_90 = tpu.memref_slice %arg4[%add3A, %add3A_73, %dma_wait3A_88, %dma_wait3A_89] : memref<32x20x10x100xi32, #tpu.memory_space<hbm>> -> memref<1x1x10x100xi32, #tpu.memory_space<hbm>>
        %dma_wait3A_91 = tpu.memref_squeeze %dma_wait3A_90 : memref<1x1x10x100xi32, #tpu.memory_space<hbm>> -> memref<10x100xi32, #tpu.memory_space<hbm>>
        tpu.wait_dma2 semaphore(%arg13 : memref<!tpu.dma_semaphore, #tpu.memory_space<semaphore_mem>>) src(%dma_wait3A_91 : memref<10x100xi32, #tpu.memory_space<hbm>>) dst(%dma_wait3A_87 : memref<10x100xi32, #tpu.memory_space<vmem>>)
      } else {
      }
    }
    %scan3A_14 = arith.constant 20 : i32
    %barrier3A_15 = arith.constant 0 : index
    tpu.barrier barrier_id(%barrier3A_15)
    %lt3A_16 = arith.constant 15 : i32
    %lt3A_17 = arith.cmpi slt, %arg1, %lt3A_16 : i32
    %convert_element_type3A_18 = arith.extui %lt3A_17 : i1 to i32
    %cond3A_19 = arith.constant 0 : i32
    %cond3A_20 = arith.cmpi ne, %convert_element_type3A_18, %cond3A_19 : i32
    scf.if %cond3A_20 {
      %mul3A_26 = arith.constant 640 : i32
      %mul3A_27 = arith.muli %arg1, %mul3A_26 : i32
      %mul3A_28 = arith.constant 10000 : i32
      %mul3A_29 = arith.muli %arg0, %mul3A_28 : i32
      %mul3A_30 = arith.constant 640 : i32
      %mul3A_31 = arith.muli %arg1, %mul3A_30 : i32
      %add3A_32 = arith.addi %mul3A_29, %mul3A_31 : i32
      "tpu.region"() ({
        %run_scoped3A_33 = tpu.sem_alloc : memref<!tpu.dma_semaphore, #tpu.memory_space<semaphore_mem>>
        %dma_start3A = arith.constant 0 : i32
        %dma_start3A_34 = tpu.memref_slice %arg5[%add3A_32, %dma_start3A] : memref<20000x128xf32, #tpu.memory_space<hbm>> -> memref<640x128xf32, #tpu.memory_space<hbm>>
        %dma_start3A_35 = arith.constant 0 : i32
        %dma_start3A_36 = tpu.memref_slice %arg10[%mul3A_27, %dma_start3A_35] : memref<10000x128xf32, #tpu.memory_space<vmem_shared>> -> memref<640x128xf32, #tpu.memory_space<vmem_shared>>
        tpu.enqueue_dma source(%dma_start3A_36 : memref<640x128xf32, #tpu.memory_space<vmem_shared>>) target(%dma_start3A_34 : memref<640x128xf32, #tpu.memory_space<hbm>>) target_semaphore(%run_scoped3A_33 : memref<!tpu.dma_semaphore, #tpu.memory_space<semaphore_mem>>)
        %dma_wait3A = arith.constant 0 : i32
        %dma_wait3A_37 = tpu.memref_slice %arg5[%add3A_32, %dma_wait3A] : memref<20000x128xf32, #tpu.memory_space<hbm>> -> memref<640x128xf32, #tpu.memory_space<hbm>>
        %dma_wait3A_38 = arith.constant 0 : i32
        %dma_wait3A_39 = tpu.memref_slice %arg10[%mul3A_27, %dma_wait3A_38] : memref<10000x128xf32, #tpu.memory_space<vmem_shared>> -> memref<640x128xf32, #tpu.memory_space<vmem_shared>>
        tpu.wait_dma2 semaphore(%run_scoped3A_33 : memref<!tpu.dma_semaphore, #tpu.memory_space<semaphore_mem>>) src(%dma_wait3A_39 : memref<640x128xf32, #tpu.memory_space<vmem_shared>>) dst(%dma_wait3A_37 : memref<640x128xf32, #tpu.memory_space<hbm>>)
        tpu.yield
      }) : () -> ()
    } else {
    }
    %eq3A_21 = arith.constant 15 : i32
    %eq3A_22 = arith.cmpi eq, %arg1, %eq3A_21 : i32
    %convert_element_type3A_23 = arith.extui %eq3A_22 : i1 to i32
    %cond3A_24 = arith.constant 0 : i32
    %cond3A_25 = arith.cmpi ne, %convert_element_type3A_23, %cond3A_24 : i32
    scf.if %cond3A_25 {
      %mul3A_26 = arith.constant 10000 : i32
      %mul3A_27 = arith.muli %arg0, %mul3A_26 : i32
      %add3A_28 = arith.constant 9600 : i32
      %add3A_29 = arith.addi %mul3A_27, %add3A_28 : i32
      "tpu.region"() ({
        %run_scoped3A_30 = tpu.sem_alloc : memref<!tpu.dma_semaphore, #tpu.memory_space<semaphore_mem>>
        %dma_start3A = arith.constant 0 : i32
        %dma_start3A_31 = tpu.memref_slice %arg5[%add3A_29, %dma_start3A] : memref<20000x128xf32, #tpu.memory_space<hbm>> -> memref<400x128xf32, #tpu.memory_space<hbm>>
        %dma_start3A_32 = arith.constant 9600 : i32
        %dma_start3A_33 = arith.constant 0 : i32
        %dma_start3A_34 = tpu.memref_slice %arg10[%dma_start3A_32, %dma_start3A_33] : memref<10000x128xf32, #tpu.memory_space<vmem_shared>> -> memref<400x128xf32, #tpu.memory_space<vmem_shared>>
        tpu.enqueue_dma source(%dma_start3A_34 : memref<400x128xf32, #tpu.memory_space<vmem_shared>>) target(%dma_start3A_31 : memref<400x128xf32, #tpu.memory_space<hbm>>) target_semaphore(%run_scoped3A_30 : memref<!tpu.dma_semaphore, #tpu.memory_space<semaphore_mem>>)
        %dma_wait3A = arith.constant 0 : i32
        %dma_wait3A_35 = tpu.memref_slice %arg5[%add3A_29, %dma_wait3A] : memref<20000x128xf32, #tpu.memory_space<hbm>> -> memref<400x128xf32, #tpu.memory_space<hbm>>
        %dma_wait3A_36 = arith.constant 9600 : i32
        %dma_wait3A_37 = arith.constant 0 : i32
        %dma_wait3A_38 = tpu.memref_slice %arg10[%dma_wait3A_36, %dma_wait3A_37] : memref<10000x128xf32, #tpu.memory_space<vmem_shared>> -> memref<400x128xf32, #tpu.memory_space<vmem_shared>>
        tpu.wait_dma2 semaphore(%run_scoped3A_30 : memref<!tpu.dma_semaphore, #tpu.memory_space<semaphore_mem>>) src(%dma_wait3A_38 : memref<400x128xf32, #tpu.memory_space<vmem_shared>>) dst(%dma_wait3A_35 : memref<400x128xf32, #tpu.memory_space<hbm>>)
        tpu.yield
      }) : () -> ()
    } else {
    }
    return
  }
}

module attributes {stable_mosaic.version = 14 : i64} {
  func.func @_z1_body(%arg0: i32, %arg1: memref<1x10000x128xf32, #tpu.memory_space<vmem>>, %arg2: memref<128x128xf32, #tpu.memory_space<vmem>>, %arg3: memref<1x16x10000xf32, #tpu.memory_space<vmem>>, %arg4: memref<1x10000x128xf32, #tpu.memory_space<vmem>>, %arg5: memref<1x10000x1xf32, #tpu.memory_space<vmem>>) attributes {dimension_semantics = [#tpu.dimension_semantics<arbitrary>], iteration_bounds = array<i64: 2>, scalar_prefetch = 0 : i64, scratch_operands = 0 : i64, tpu.core_type = #tpu.core_type<tc>, window_params = [{transform_indices = @transform_0, window_bounds = array<i64: 1, 10000, 128>}, {pipeline_mode = #tpu.pipeline_mode<synchronous>, transform_indices = @transform_1, window_bounds = array<i64: 128, 128>}, {transform_indices = @transform_2, window_bounds = array<i64: 1, 16, 10000>}, {transform_indices = @transform_3, window_bounds = array<i64: 1, 10000, 128>}, {transform_indices = @transform_4, window_bounds = array<i64: 1, 10000, 1>}]} {
    %get3A = arith.constant 0 : index
    %get3A_0 = arith.constant 0 : index
    %get3A_1 = arith.constant 0 : index
    %get3A_2 = vector.load %arg3[%get3A, %get3A_0, %get3A_1] : memref<1x16x10000xf32, #tpu.memory_space<vmem>>, vector<1x16x10000xf32>
    %get3A_3 = vector.shape_cast %get3A_2 : vector<1x16x10000xf32> to vector<16x10000xf32>
    %reduce_sum3A = arith.constant dense<0.000000e+00> : vector<10000xf32>
    %reduce_sum3A_4 = vector.multi_reduction <add>, %get3A_3, %reduce_sum3A [0] : vector<16x10000xf32> to vector<10000xf32>
    %broadcast_in_dim3A = vector.shape_cast %reduce_sum3A_4 : vector<10000xf32> to vector<1x10000xf32>
    %add3A = arith.constant 1.000000e+00 : f32
    %add3A_5 = vector.broadcast %add3A : f32 to vector<1x10000xf32>
    %add3A_6 = arith.addf %broadcast_in_dim3A, %add3A_5 : vector<1x10000xf32>
    %rsqrt3A = math.rsqrt %add3A_6 : vector<1x10000xf32>
    %transpose3A = tpu.transpose %rsqrt3A, [1, 0] : vector<1x10000xf32> -> vector<10000x1xf32>
    %swap3A = arith.constant 0 : index
    %swap3A_7 = arith.constant 0 : index
    %swap3A_8 = arith.constant 0 : index
    %swap3A_9 = vector.load %arg5[%swap3A, %swap3A_7, %swap3A_8] : memref<1x10000x1xf32, #tpu.memory_space<vmem>>, vector<1x10000x1xf32>
    %swap3A_10 = vector.shape_cast %swap3A_9 : vector<1x10000x1xf32> to vector<10000x1xf32>
    %swap3A_11 = vector.shape_cast %transpose3A : vector<10000x1xf32> to vector<1x10000x1xf32>
    tpu.vector_store %arg5[%swap3A, %swap3A_7, %swap3A_8], %swap3A_11 {strides = array<i32>} : memref<1x10000x1xf32, #tpu.memory_space<vmem>>, vector<1x10000x1xf32>,
    %get3A_12 = arith.constant 0 : index
    %get3A_13 = arith.constant 0 : index
    %get3A_14 = arith.constant 0 : index
    %get3A_15 = vector.load %arg1[%get3A_12, %get3A_13, %get3A_14] : memref<1x10000x128xf32, #tpu.memory_space<vmem>>, vector<1x10000x128xf32>
    %get3A_16 = vector.shape_cast %get3A_15 : vector<1x10000x128xf32> to vector<10000x128xf32>
    %get3A_17 = arith.constant 0 : index
    %get3A_18 = arith.constant 0 : index
    %get3A_19 = vector.load %arg2[%get3A_17, %get3A_18] : memref<128x128xf32, #tpu.memory_space<vmem>>, vector<128x128xf32>
    %dot_general3A = arith.constant dense<0.000000e+00> : vector<10000x128xf32>
    %dot_general3A_20 = tpu.matmul %get3A_16, %get3A_19, %dot_general3A {dimension_numbers = #tpu.dot_dimension_numbers<[1], [0], [0], [1], [0, 0, 1, 1], [], []>, transpose_lhs_hint = false} : vector<10000x128xf32>, vector<128x128xf32>, vector<10000x128xf32> -> vector<10000x128xf32>
    %mul3A = vector.broadcast %transpose3A : vector<10000x1xf32> to vector<10000x128xf32>
    %mul3A_21 = arith.mulf %dot_general3A_20, %mul3A : vector<10000x128xf32>
    %swap3A_22 = arith.constant 0 : index
    %swap3A_23 = arith.constant 0 : index
    %swap3A_24 = arith.constant 0 : index
    %swap3A_25 = vector.load %arg4[%swap3A_22, %swap3A_23, %swap3A_24] : memref<1x10000x128xf32, #tpu.memory_space<vmem>>, vector<1x10000x128xf32>
    %swap3A_26 = vector.shape_cast %swap3A_25 : vector<1x10000x128xf32> to vector<10000x128xf32>
    %swap3A_27 = vector.shape_cast %mul3A_21 : vector<10000x128xf32> to vector<1x10000x128xf32>
    tpu.vector_store %arg4[%swap3A_22, %swap3A_23, %swap3A_24], %swap3A_27 {strides = array<i32>} : memref<1x10000x128xf32, #tpu.memory_space<vmem>>, vector<1x10000x128xf32>,
    return
  }
  func.func @transform_0(%arg0: i32) -> (i32, i32, i32) {
    %c0_i32 = arith.constant 0 : i32
    %c0_i32_0 = arith.constant 0 : i32
    %c0_i32_1 = arith.constant 0 : i32
    return %arg0, %c0_i32, %c0_i32_0 : i32, i32, i32
  }
  func.func @transform_1(%arg0: i32) -> (i32, i32) {
    %c0_i32 = arith.constant 0 : i32
    %c0_i32_0 = arith.constant 0 : i32
    %c0_i32_1 = arith.constant 0 : i32
    return %c0_i32, %c0_i32_0 : i32, i32
  }
  func.func @transform_2(%arg0: i32) -> (i32, i32, i32) {
    %c0_i32 = arith.constant 0 : i32
    %c0_i32_0 = arith.constant 0 : i32
    %c0_i32_1 = arith.constant 0 : i32
    return %arg0, %c0_i32, %c0_i32_0 : i32, i32, i32
  }
  func.func @transform_3(%arg0: i32) -> (i32, i32, i32) {
    %c0_i32 = arith.constant 0 : i32
    %c0_i32_0 = arith.constant 0 : i32
    %c0_i32_1 = arith.constant 0 : i32
    return %arg0, %c0_i32, %c0_i32_0 : i32, i32, i32
  }
  func.func @transform_4(%arg0: i32) -> (i32, i32, i32) {
    %c0_i32 = arith.constant 0 : i32
    %c0_i32_0 = arith.constant 0 : i32
    %c0_i32_1 = arith.constant 0 : i32
    return %arg0, %c0_i32, %c0_i32_0 : i32, i32, i32
  }
}

module attributes {stable_mosaic.version = 14 : i64} {
  func.func @_z2_body(%arg0: i32, %arg1: memref<1x10000x128xf32, #tpu.memory_space<vmem>>, %arg2: memref<1x10000x1xf32, #tpu.memory_space<vmem>>, %arg3: memref<1x128xf32, #tpu.memory_space<vmem>>, %arg4: memref<128x128xf32, #tpu.memory_space<vmem>>, %arg5: memref<1x10000x128xf32, #tpu.memory_space<vmem>>) attributes {dimension_semantics = [#tpu.dimension_semantics<arbitrary>], iteration_bounds = array<i64: 2>, scalar_prefetch = 0 : i64, scratch_operands = 0 : i64, tpu.core_type = #tpu.core_type<tc>, window_params = [{transform_indices = @transform_0, window_bounds = array<i64: 1, 10000, 128>}, {transform_indices = @transform_1, window_bounds = array<i64: 1, 10000, 1>}, {pipeline_mode = #tpu.pipeline_mode<synchronous>, transform_indices = @transform_2, window_bounds = array<i64: 1, 128>}, {pipeline_mode = #tpu.pipeline_mode<synchronous>, transform_indices = @transform_3, window_bounds = array<i64: 128, 128>}, {transform_indices = @transform_4, window_bounds = array<i64: 1, 10000, 128>}]} {
    %get3A = arith.constant 0 : index
    %get3A_0 = arith.constant 0 : index
    %get3A_1 = arith.constant 0 : index
    %get3A_2 = vector.load %arg2[%get3A, %get3A_0, %get3A_1] : memref<1x10000x1xf32, #tpu.memory_space<vmem>>, vector<1x10000x1xf32>
    %get3A_3 = vector.shape_cast %get3A_2 : vector<1x10000x1xf32> to vector<10000x1xf32>
    %get3A_4 = arith.constant 0 : index
    %get3A_5 = arith.constant 0 : index
    %get3A_6 = arith.constant 0 : index
    %get3A_7 = vector.load %arg1[%get3A_4, %get3A_5, %get3A_6] : memref<1x10000x128xf32, #tpu.memory_space<vmem>>, vector<1x10000x128xf32>
    %get3A_8 = vector.shape_cast %get3A_7 : vector<1x10000x128xf32> to vector<10000x128xf32>
    %mul3A = vector.broadcast %get3A_3 : vector<10000x1xf32> to vector<10000x128xf32>
    %mul3A_9 = arith.mulf %get3A_8, %mul3A : vector<10000x128xf32>
    %get3A_10 = arith.constant 0 : index
    %get3A_11 = arith.constant 0 : index
    %get3A_12 = vector.load %arg3[%get3A_10, %get3A_11] : memref<1x128xf32, #tpu.memory_space<vmem>>, vector<1x128xf32>
    %add3A = vector.broadcast %get3A_12 : vector<1x128xf32> to vector<10000x128xf32>
    %add3A_13 = arith.addf %mul3A_9, %add3A : vector<10000x128xf32>
    %max3A = arith.constant 0.000000e+00 : f32
    %max3A_14 = vector.broadcast %max3A : f32 to vector<10000x128xf32>
    %max3A_15 = arith.maximumf %add3A_13, %max3A_14 : vector<10000x128xf32>
    %get3A_16 = arith.constant 0 : index
    %get3A_17 = arith.constant 0 : index
    %get3A_18 = vector.load %arg4[%get3A_16, %get3A_17] : memref<128x128xf32, #tpu.memory_space<vmem>>, vector<128x128xf32>
    %dot_general3A = arith.constant dense<0.000000e+00> : vector<10000x128xf32>
    %dot_general3A_19 = tpu.matmul %max3A_15, %get3A_18, %dot_general3A {dimension_numbers = #tpu.dot_dimension_numbers<[1], [0], [0], [1], [0, 0, 1, 1], [], []>, transpose_lhs_hint = false} : vector<10000x128xf32>, vector<128x128xf32>, vector<10000x128xf32> -> vector<10000x128xf32>
    %mul3A_20 = vector.broadcast %get3A_3 : vector<10000x1xf32> to vector<10000x128xf32>
    %mul3A_21 = arith.mulf %dot_general3A_19, %mul3A_20 : vector<10000x128xf32>
    %swap3A = arith.constant 0 : index
    %swap3A_22 = arith.constant 0 : index
    %swap3A_23 = arith.constant 0 : index
    %swap3A_24 = vector.load %arg5[%swap3A, %swap3A_22, %swap3A_23] : memref<1x10000x128xf32, #tpu.memory_space<vmem>>, vector<1x10000x128xf32>
    %swap3A_25 = vector.shape_cast %swap3A_24 : vector<1x10000x128xf32> to vector<10000x128xf32>
    %swap3A_26 = vector.shape_cast %mul3A_21 : vector<10000x128xf32> to vector<1x10000x128xf32>
    tpu.vector_store %arg5[%swap3A, %swap3A_22, %swap3A_23], %swap3A_26 {strides = array<i32>} : memref<1x10000x128xf32, #tpu.memory_space<vmem>>, vector<1x10000x128xf32>,
    return
  }
  func.func @transform_0(%arg0: i32) -> (i32, i32, i32) {
    %c0_i32 = arith.constant 0 : i32
    %c0_i32_0 = arith.constant 0 : i32
    %c0_i32_1 = arith.constant 0 : i32
    return %arg0, %c0_i32, %c0_i32_0 : i32, i32, i32
  }
  func.func @transform_1(%arg0: i32) -> (i32, i32, i32) {
    %c0_i32 = arith.constant 0 : i32
    %c0_i32_0 = arith.constant 0 : i32
    %c0_i32_1 = arith.constant 0 : i32
    return %arg0, %c0_i32, %c0_i32_0 : i32, i32, i32
  }
  func.func @transform_2(%arg0: i32) -> (i32, i32) {
    %c0_i32 = arith.constant 0 : i32
    %c0_i32_0 = arith.constant 0 : i32
    %c0_i32_1 = arith.constant 0 : i32
    return %c0_i32, %c0_i32_0 : i32, i32
  }
  func.func @transform_3(%arg0: i32) -> (i32, i32) {
    %c0_i32 = arith.constant 0 : i32
    %c0_i32_0 = arith.constant 0 : i32
    %c0_i32_1 = arith.constant 0 : i32
    return %c0_i32, %c0_i32_0 : i32, i32
  }
  func.func @transform_4(%arg0: i32) -> (i32, i32, i32) {
    %c0_i32 = arith.constant 0 : i32
    %c0_i32_0 = arith.constant 0 : i32
    %c0_i32_1 = arith.constant 0 : i32
    return %arg0, %c0_i32, %c0_i32_0 : i32, i32, i32
  }
}

module attributes {stable_mosaic.version = 14 : i64} {
  func.func @_out_body(%arg0: i32, %arg1: memref<1x10000x128xf32, #tpu.memory_space<vmem>>, %arg2: memref<1x10000x1xf32, #tpu.memory_space<vmem>>, %arg3: memref<1x128xf32, #tpu.memory_space<vmem>>, %arg4: memref<128x128xf32, #tpu.memory_space<vmem>>, %arg5: memref<1x128xf32, #tpu.memory_space<vmem>>, %arg6: memref<1x1x128xf32, #tpu.memory_space<vmem>>) attributes {dimension_semantics = [#tpu.dimension_semantics<arbitrary>], iteration_bounds = array<i64: 2>, scalar_prefetch = 0 : i64, scratch_operands = 0 : i64, tpu.core_type = #tpu.core_type<tc>, window_params = [{transform_indices = @transform_0, window_bounds = array<i64: 1, 10000, 128>}, {transform_indices = @transform_1, window_bounds = array<i64: 1, 10000, 1>}, {pipeline_mode = #tpu.pipeline_mode<synchronous>, transform_indices = @transform_2, window_bounds = array<i64: 1, 128>}, {pipeline_mode = #tpu.pipeline_mode<synchronous>, transform_indices = @transform_3, window_bounds = array<i64: 128, 128>}, {pipeline_mode = #tpu.pipeline_mode<synchronous>, transform_indices = @transform_4, window_bounds = array<i64: 1, 128>}, {transform_indices = @transform_5, window_bounds = array<i64: 1, 1, 128>}]} {
    %get3A = arith.constant 0 : index
    %get3A_0 = arith.constant 0 : index
    %get3A_1 = arith.constant 0 : index
    %get3A_2 = vector.load %arg1[%get3A, %get3A_0, %get3A_1] : memref<1x10000x128xf32, #tpu.memory_space<vmem>>, vector<1x10000x128xf32>
    %get3A_3 = vector.shape_cast %get3A_2 : vector<1x10000x128xf32> to vector<10000x128xf32>
    %get3A_4 = arith.constant 0 : index
    %get3A_5 = arith.constant 0 : index
    %get3A_6 = arith.constant 0 : index
    %get3A_7 = vector.load %arg2[%get3A_4, %get3A_5, %get3A_6] : memref<1x10000x1xf32, #tpu.memory_space<vmem>>, vector<1x10000x1xf32>
    %get3A_8 = vector.shape_cast %get3A_7 : vector<1x10000x1xf32> to vector<10000x1xf32>
    %mul3A = vector.broadcast %get3A_8 : vector<10000x1xf32> to vector<10000x128xf32>
    %mul3A_9 = arith.mulf %get3A_3, %mul3A : vector<10000x128xf32>
    %get3A_10 = arith.constant 0 : index
    %get3A_11 = arith.constant 0 : index
    %get3A_12 = vector.load %arg3[%get3A_10, %get3A_11] : memref<1x128xf32, #tpu.memory_space<vmem>>, vector<1x128xf32>
    %add3A = vector.broadcast %get3A_12 : vector<1x128xf32> to vector<10000x128xf32>
    %add3A_13 = arith.addf %mul3A_9, %add3A : vector<10000x128xf32>
    %max3A = arith.constant 0.000000e+00 : f32
    %max3A_14 = vector.broadcast %max3A : f32 to vector<10000x128xf32>
    %max3A_15 = arith.maximumf %add3A_13, %max3A_14 : vector<10000x128xf32>
    %reduce_sum3A = arith.constant dense<0.000000e+00> : vector<128xf32>
    %reduce_sum3A_16 = vector.multi_reduction <add>, %max3A_15, %reduce_sum3A [0] : vector<10000x128xf32> to vector<128xf32>
    %broadcast_in_dim3A = vector.shape_cast %reduce_sum3A_16 : vector<128xf32> to vector<1x128xf32>
    %mul3A_17 = arith.constant 9.99999974E-5 : f32
    %mul3A_18 = vector.broadcast %mul3A_17 : f32 to vector<1x128xf32>
    %mul3A_19 = arith.mulf %broadcast_in_dim3A, %mul3A_18 : vector<1x128xf32>
    %get3A_20 = arith.constant 0 : index
    %get3A_21 = arith.constant 0 : index
    %get3A_22 = vector.load %arg4[%get3A_20, %get3A_21] : memref<128x128xf32, #tpu.memory_space<vmem>>, vector<128x128xf32>
    %dot_general3A = arith.constant dense<0.000000e+00> : vector<1x128xf32>
    %dot_general3A_23 = tpu.matmul %mul3A_19, %get3A_22, %dot_general3A {dimension_numbers = #tpu.dot_dimension_numbers<[1], [0], [0], [1], [0, 0, 1, 1], [], []>, transpose_lhs_hint = false} : vector<1x128xf32>, vector<128x128xf32>, vector<1x128xf32> -> vector<1x128xf32>
    %get3A_24 = arith.constant 0 : index
    %get3A_25 = arith.constant 0 : index
    %get3A_26 = vector.load %arg5[%get3A_24, %get3A_25] : memref<1x128xf32, #tpu.memory_space<vmem>>, vector<1x128xf32>
    %add3A_27 = arith.addf %dot_general3A_23, %get3A_26 : vector<1x128xf32>
    %swap3A = arith.constant 0 : index
    %swap3A_28 = arith.constant 0 : index
    %swap3A_29 = arith.constant 0 : index
    %swap3A_30 = vector.load %arg6[%swap3A, %swap3A_28, %swap3A_29] : memref<1x1x128xf32, #tpu.memory_space<vmem>>, vector<1x1x128xf32>
    %swap3A_31 = vector.shape_cast %swap3A_30 : vector<1x1x128xf32> to vector<1x128xf32>
    %swap3A_32 = vector.shape_cast %add3A_27 : vector<1x128xf32> to vector<1x1x128xf32>
    tpu.vector_store %arg6[%swap3A, %swap3A_28, %swap3A_29], %swap3A_32 {strides = array<i32>} : memref<1x1x128xf32, #tpu.memory_space<vmem>>, vector<1x1x128xf32>,
    return
  }
  func.func @transform_0(%arg0: i32) -> (i32, i32, i32) {
    %c0_i32 = arith.constant 0 : i32
    %c0_i32_0 = arith.constant 0 : i32
    %c0_i32_1 = arith.constant 0 : i32
    return %arg0, %c0_i32, %c0_i32_0 : i32, i32, i32
  }
  func.func @transform_1(%arg0: i32) -> (i32, i32, i32) {
    %c0_i32 = arith.constant 0 : i32
    %c0_i32_0 = arith.constant 0 : i32
    %c0_i32_1 = arith.constant 0 : i32
    return %arg0, %c0_i32, %c0_i32_0 : i32, i32, i32
  }
  func.func @transform_2(%arg0: i32) -> (i32, i32) {
    %c0_i32 = arith.constant 0 : i32
    %c0_i32_0 = arith.constant 0 : i32
    %c0_i32_1 = arith.constant 0 : i32
    return %c0_i32, %c0_i32_0 : i32, i32
  }
  func.func @transform_3(%arg0: i32) -> (i32, i32) {
    %c0_i32 = arith.constant 0 : i32
    %c0_i32_0 = arith.constant 0 : i32
    %c0_i32_1 = arith.constant 0 : i32
    return %c0_i32, %c0_i32_0 : i32, i32
  }
  func.func @transform_4(%arg0: i32) -> (i32, i32) {
    %c0_i32 = arith.constant 0 : i32
    %c0_i32_0 = arith.constant 0 : i32
    %c0_i32_1 = arith.constant 0 : i32
    return %c0_i32, %c0_i32_0 : i32, i32
  }
  func.func @transform_5(%arg0: i32) -> (i32, i32, i32) {
    %c0_i32 = arith.constant 0 : i32
    %c0_i32_0 = arith.constant 0 : i32
    %c0_i32_1 = arith.constant 0 : i32
    return %arg0, %c0_i32, %c0_i32_0 : i32, i32, i32
  }
}

</mosaic_0001>

<sc_bundles>
// kernel: kernel.11.cloned.1.call-start
scs
__scs_entry_jumppad:
0x0: {  	(pc) =	sbr.rel $0x88, $3  }
0x1: {  	(tag) =	ssettag $0x0;
	lr =	simm.s32 $0x1  }
0x2: {  	[smem:$0x3F97] =	sst lr;
	_ =	strace $0xD0000000  }
0x3: {  	_ = 	snop  }
0x4: {  	_ = 	snop  }
0x5: {  	_ = 	snop  }
0x6: {  	_ = 	snop  }
0x7: {  	_ = 	snop  }
__scs_overlays_trampoline_lowered:
0x8: {  	[smem:$0x3FA6] =	sst s0  }
0x9: {  	[smem:$0x3FA7] =	sst s1  }
0xa: {  	[smem:$0x3FA8] =	sst s2  }
0xb: {  	[smem:$0x3FA9] =	sst s3  }
0xc: {  	[smem:$0x3FAA] =	sst s4  }
0xd: {  	[smem:$0x3FAB] =	sst s5  }
0xe: {  	[smem:$0x3FAC] =	sst s6  }
0xf: {  	[smem:$0x3FAD] =	sst s7  }
0x10: {  	[smem:$0x3FAE] =	sst s8  }
0x11: {  	[smem:$0x3FAF] =	sst s9;
	s0 =	simm.s32 @!p0 $0x0  }
0x12: {  	s1 =	sld [smem:$0x3F95];
	s0 =	simm.s32 @p0 $0x1  }
0x13: {  	[smem:$0x3FB0] =	sst s0;
	s0 =	simm.s32 @!p1 $0x0  }
0x14: {  	s2 =	sld [smem:$0x3F94];
	s0 =	simm.s32 @p1 $0x1  }
0x15: {  	[smem:$0x3FB1] =	sst s0;
	s0 =	simm.s32 @!p2 $0x0  }
0x16: {  	s3 =	sld [smem:$0x3FDB];
	s0 =	simm.s32 @p2 $0x1  }
0x17: {  	s4 =	simm.s32 $0x1BF5;
	[smem:$0x3FB3] =	sst s0  }
0x18: {  	s0 =	sld [smem:$0x3F96];
	_ =	swait.ge [sflag:s4], $0x0  }
0x19: {  	s7 =	sld [smem:$0x3F97]  }
0x1a: {  	s8 =	sadd.s32 $0xFFFFE003, lr  }
0x1b: {  	s9 =	sadd.s32 $0xFFFFFEF7, lr;
	s5 =	simm.s32 $0xFFFFFFFF;
	p2 =	slt.u32 s8, $0xFFFFF086  }
0x1c: {  	p1 =	slt.u32 s9, $0xF7A;
	s5 =	simm.s32 @!p2 $0x0  }
0x1d: {  	s5 =	simm.s32 @p1 $0x1;
	p0 =	seq.s32 s7, s2  }
0x1e: {  	s7 =	smul.u32 @!p0 $0xF7A, s2;
	p2 =	seq.s32 @!p0 s5, $0x0  }
0x1f: {  	s9 =	smul.u32 $0xF7A, s1;
	s8 =	simm.s32 @!p0 $0x1BF5;
	p2 =	por !p2, p0  }
0x20: {  	[sflag:s8] =	ssyncset.s32 @!p0 $0xFFFFF086;
	s6 =	sadd.s32 @!p0 s3, s7;
	s7 =	simm.s32 @!p0 $0x108  }
0x21: {  	s3 =	sadd.s32 s3, s9;
	s6 =	sadd.s32 @!p0 $0x88, s6;
	s7 =	simm.s32 @p2 $0x1082  }
0x22: {  	[simem:s7], [sflag:s8] =	dma.local @!p0 [hbm:s6], $0xF7A  }
0x23: {  	s9 =	sor.u32 $0xD0000000, s2;
	s6 =	simm.s32 $0x108;
	_ =	swait.ge @!p0 [sflag:s8], $0x0  }
0x24: {  	s3 =	sadd.s32 $0x88, s3;
	s6 =	simm.s32 @!p1 $0x1082;
	[sflag:s4] =	ssyncset.s32 $0xFFFFF086  }
0x25: {  	[simem:s6], [sflag:s4] =	dma.local [hbm:s3], $0xF7A  }
0x26: {  	[smem:$0x3F97] =	sst s1;
	(tag) =	ssettag s2;
	_ =	strace s9  }
0x27: {  	s1 =	sld [smem:$0x3FA7]  }
0x28: {  	s2 =	sld [smem:$0x3FA8]  }
0x29: {  	s4 =	sld [smem:$0x3FAA]  }
0x2a: {  	p0 =	seq.s32 s5, $0x0;
	s5 =	sld [smem:$0x3FAB]  }
0x2b: {  	s6 =	sld [smem:$0x3FAC]  }
0x2c: {  	s7 =	sld [smem:$0x3FAD]  }
0x2d: {  	s3 =	simm.s32 $0x108;
	s8 =	sld [smem:$0x3FAE]  }
0x2e: {  	s3 =	simm.s32 @!p0 $0x1082;
	s9 =	sld [smem:$0x3FAF]  }
0x2f: {  	lr =	sadd.s32 s0, s3;
	s0 =	sld [smem:$0x3FA6]  }
0x30: {  	s3 =	sld [smem:$0x3FA9]  }
0x31: {  	[smem:$0x3FB2] =	sst s10  }
0x32: {  	s10 =	sld [smem:$0x3FB0];
	_ =	sdelay $0x3  }
0x33: {  	p0 =	seq.s32 s10, $0x1;
	s10 =	sld [smem:$0x3FB2];
	_ =	sdelay $0x3  }
0x34: {  	[smem:$0x3FB2] =	sst s10  }
0x35: {  	s10 =	sld [smem:$0x3FB1];
	_ =	sdelay $0x3  }
0x36: {  	p1 =	seq.s32 s10, $0x1;
	s10 =	sld [smem:$0x3FB2];
	_ =	sdelay $0x3  }
0x37: {  	[smem:$0x3FB2] =	sst s10  }
0x38: {  	s10 =	sld [smem:$0x3FB3]  }
0x39: {  	_ = 	snop;
	(pc) =	sbr.ind lr, $3  }
0x3a: {  	_ = 	snop  }
0x3b: {  	_ = 	snop  }
0x3c: {  	p2 =	seq.s32 s10, $0x1;
	s10 =	sld [smem:$0x3FB2]  }
0x3d: {  	_ =	shalt  }
0x3e: {  	_ =	shalt  }
0x3f: {  	_ =	shalt  }
0x40: {  	_ =	shalt  }
0x41: {  	_ =	shalt  }
0x42: {  	_ =	shalt  }
0x43: {  	_ =	shalt  }
0x44: {  	_ =	shalt  }
0x45: {  	_ =	shalt  }
0x46: {  	_ =	shalt  }
0x47: {  	_ =	shalt  }
0x48: {  	_ =	shalt  }
0x49: {  	_ =	shalt  }
0x4a: {  	_ =	shalt  }
0x4b: {  	_ =	shalt  }
0x4c: {  	_ =	shalt  }
0x4d: {  	_ =	shalt  }
0x4e: {  	_ =	shalt  }
0x4f: {  	_ =	shalt  }
0x50: {  	_ =	shalt  }
0x51: {  	_ =	shalt  }
0x52: {  	_ =	shalt  }
0x53: {  	_ =	shalt  }
0x54: {  	_ =	shalt  }
0x55: {  	_ =	shalt  }
0x56: {  	_ =	shalt  }
0x57: {  	_ =	shalt  }
0x58: {  	_ =	shalt  }
0x59: {  	_ =	shalt  }
0x5a: {  	_ =	shalt  }
0x5b: {  	_ =	shalt  }
0x5c: {  	_ =	shalt  }
0x5d: {  	_ =	shalt  }
0x5e: {  	_ =	shalt  }
0x5f: {  	_ =	shalt  }
0x60: {  	_ =	shalt  }
0x61: {  	_ =	shalt  }
0x62: {  	_ =	shalt  }
0x63: {  	_ =	shalt  }
0x64: {  	_ =	shalt  }
0x65: {  	_ =	shalt  }
0x66: {  	_ =	shalt  }
0x67: {  	_ =	shalt  }
0x68: {  	_ =	shalt  }
0x69: {  	_ =	shalt  }
0x6a: {  	_ =	shalt  }
0x6b: {  	_ =	shalt  }
0x6c: {  	_ =	shalt  }
0x6d: {  	_ =	shalt  }
0x6e: {  	_ =	shalt  }
0x6f: {  	_ =	shalt  }
0x70: {  	_ =	shalt  }
0x71: {  	_ =	shalt  }
0x72: {  	_ =	shalt  }
0x73: {  	_ =	shalt  }
0x74: {  	_ =	shalt  }
0x75: {  	_ =	shalt  }
0x76: {  	_ =	shalt  }
0x77: {  	_ =	shalt  }
0x78: {  	_ =	shalt  }
0x79: {  	_ =	shalt  }
0x7a: {  	_ =	shalt  }
0x7b: {  	_ =	shalt  }
0x7c: {  	_ =	shalt  }
0x7d: {  	_ =	shalt  }
0x7e: {  	_ =	shalt  }
0x7f: {  	_ =	shalt  }
0x80: {  	_ =	shalt  }
0x81: {  	_ =	shalt  }
0x82: {  	_ =	shalt  }
0x83: {  	_ =	shalt  }
0x84: {  	_ =	shalt  }
0x85: {  	_ =	shalt  }
0x86: {  	_ =	shalt  }
0x87: {  	_ =	shalt  }
.Lfunc_end0:
.L_simem_size_0:
called_computation.1_lowered:
.L_overlay_start_0:
0x88: {  	s2 =	sld [smem:$0x3FD9]  }
0x89: {  	s3 =	sld [smem:$0x3FFE];
	_ =	sdelay $0x1  }
0x8a: {  	s1 =	srdreg.scid  }
0x8b: {  	s0 =	sand.u32 $0x1, s1  }
0x8c: {  	s16 =	sshll.u32 s0, $0xA;
	s2 =	sadd.s32 s3, s2  }
0x8d: {  	s2 =	sadd.s32 s2, s16  }
0x8e: {  	[smem:$0x3FBE] =	sst s2  }
0x8f: {  	_ = 	snop  }
0x90: {  	(tm) =	ssettm $0x1  }
0x91: {  	s17 =	sld [smem:$0x3FFB];
	_ =	sdelay $0x3  }
0x92: {  	_ =	strace s17  }
0x93: {  	s2 =	sld [smem:$0x3FFC];
	_ =	sdelay $0x3  }
0x94: {  	_ =	strace s2  }
0x95: {  	s2 =	sld [smem:$0x3FFD];
	_ =	sdelay $0x3  }
0x96: {  	_ =	strace s2  }
0x97: {  	_ =	strace $0x8FFFFFFF  }
0x98: {  	s18 =	sld [smem:$0x3FDB];
	_ =	sdelay $0x1  }
0x99: {  	s19 =	simm.s32 $_scs_section_size  }
0x9a: {  	s4 =	simm.s32 $_size__tile_overlayer_lowered;
	s5 =	simm.s32 $_tile_overlayer_lowered  }
0x9b: {  	s22 =	simm.s32 $0x1BFF;
	s21 =	sshll.u32 s5, $0x1;
	s2 =	sadd.s32 s19, s18  }
0x9c: {  	s6 =	simm.s32 $0x0;
	s20 =	sshll.u32 s4, $0x1;
	s4 =	sadd.s32 s21, s2  }
0x9d: {  	[timem:s6], [sflag:s22] =	dma.local [hbm:s4], s20  }
0x9e: {  	_ =	swait.ge [sflag:s22], s20  }
0x9f: {  	s3 =	ssub.s32 $0x0, s20;
	[sflag:s22] =	ssyncset.done $0x0  }
0xa0: {  	[sflag:s22] =	ssyncadd.s32 s3;
	_ =	sdelay $0x1  }
0xa1: {  	s23 =	simm.s32 $0x1B8B  }
0xa2: {  	_ =	swait.ge [sflag:s23], $0x1  }
0xa3: {  	[sflag:s23] =	ssyncset.done $0x0  }
0xa4: {  	s25 =	simm.s32 $0x1B8E;
	s24 =	sld [smem:$0x3FFE];
	[sflag:s23] =	ssyncadd.s32 $0xFFFFFFFF  }
0xa5: {  	s26 =	simm.s32 $execute0_lowered;
	[smem:$0x3FD2] =	sst s25  }
0xa6: {  	s4 =	sshll.u32 s26, $0x1;
	_ =	strace $0x80000049;
	[dreg:$0x1] =	wrdreg $0xFFFFFFFF  }
0xa7: {  	s28 =	simm.s32 $_size_execute0_lowered;
	s2 =	sadd.s32 s2, s4;
	[dreg:$0x0] =	wrdreg $0x0  }
0xa8: {  	s4 =	sshll.u32 s28, $0x1;
	[dreg:$0x2] =	wrdreg s2  }
0xa9: {  	[dreg:$0x3] =	wrdreg s4  }
0xaa: {  	[dreg:$0x4] =	wrdreg $0xC0  }
0xab: {  	_ =	task [dreg:s6], $0x5FFFF  }
0xac: {  	[dreg:$0x1] =	wrdreg $0xFFFFFFFF  }
0xad: {  	[dreg:$0x0] =	wrdreg $0x60  }
0xae: {  	[dreg:$0x2] =	wrdreg s24  }
0xaf: {  	[dreg:$0x3] =	wrdreg $0x88000  }
0xb0: {  	[dreg:$0x4] =	wrdreg $0x9  }
0xb1: {  	_ =	task.clear_ibuf [dreg:s6], $0x5FFFF;
	_ =	strace $0x90000049  }
0xb2: {  	s29 =	simm.s32 $0x9;
	_ =	strace $0x8000004B  }
0xb3: {  	_ =	swait.ge [sflag:s29], $0x1  }
0xb4: {  	[sflag:s29] =	ssyncadd.s32 $0xFFFFFFFF  }
0xb5: {  	_ =	strace $0x9000004B  }
0xb6: {  	_ =	sfence  }
0xb7: {  	s30 =	sld [smem:$0x0];
	_ =	sdelay $0x2  }
0xb8: {  	s31 =	sshll.u32 s1, $0xD;
	s1 =	sshrl.u32 s1, $0x2  }
0xb9: {  	s3 =	sand.u32 $0x4000, s31;
	s1 =	sadd.s32 s1, s30  }
0xba: {  	s0 =	sor.u32 s3, s0;
	s1 =	sshll.u32 s1, $0x11  }
0xbb: {  	s0 =	sor.u32 s1, s0  }
0xbc: {  	s0 =	sadd.s32 $0x8F2B, s0  }
0xbd: {  	[sflag:s0] =	ssyncadd.remote.s32 $0x1  }
0xbe: {  	_ =	sfence.sel $0xFFFF  }
0xbf: {  	[dreg:$0x0] =	wrdreg $0xFFFFFFFF;
	(pc) =	sbr.abs _section_cstart, $3  }
0xc0: {  	[dreg:$0x1] =	wrdreg $0xFFFFFFFF  }
0xc1: {  	_ =	task.clear_ibuf [dreg:s6], $0x2FFFF;
	_ =	strace $0x9FFFFFFF  }
0xc2: {  	(tm) =	ssettm $0x7FFFFFFF  }
0xc3: {  	_ =	shalt  }
tec
execute0_lowered:
.L_overlay_start_1:
0x0: {  	(tag) =	ssettag $0x1  }
0x1: {  	s5 =	rddreg [dreg:$0x0]  }
0x2: {  	s1 =	rddreg [dreg:$0x1]  }
0x3: {  	s2 =	simm.s32 $0x0;
	s6 =	srdreg.scid;
	s3 =	stileid.u32  }
0x4: {  	s19 =	simm.s32 $0x64;
	s20 =	simm.s32 $0x2000;
	s21 =	simm.s32 $0x5400  }
0x5: {  	[smem:$0x7FF] =	sst s2;
	s4 =	sadd.s32 $0x70A00, s5;
	s7 =	smul.u32 $0x50000, s3  }
0x6: {  	s13 =	sadd.s32 $0x48A00, s5;
	s12 =	sadd.s32 $0x20A00, s5;
	s14 =	smul.u32 $0x2800, s3  }
0x7: {  	s6 =	sand.u32 $0x1, s6;
	s10 =	sadd.s32 $0x10CE00, s5;
	s29 =	smul.u32 $0xA000, s3  }
0x8: {  	s18 =	sadd.s32 $0x12C000, s1;
	p0 =	seq.s32 s3, $0xF;
	s8 =	smul.u32 $0x27100, s6  }
0x9: {  	_ =	strace $0x8000004A;
	s15 =	smul.u32 $0x138800, s6  }
0xa: {  	s22 =	ssub.s32 $0x2, s6;
	s11 =	sshll.u32 s6, $0x4;
	s26 =	smul.u32 $0xA0000, s6  }
0xb: {  	s9 =	sshrl.u32 s22, $0x1;
	s11 =	sor.u32 s3, s11;
	s7 =	sshrl.u32 s7, $0x2  }
0xc: {  	s16 =	ssub.s32 s22, s9;
	s17 =	sadd.s32 s7, s1;
	s23 =	smul.u32 $0xA000, s11  }
0xd: {  	s24 =	sadd.s32 s14, s8;
	s25 =	sshrl.u32 s15, $0x3;
	s11 =	sadd.s32 s29, s26  }
0xe: {  	s15 =	sshll.u32 @!p0 s3, $0x6;
	s22 =	simm.s32 $0x1;
	s5 =	sadd.s32 s4, s24  }
0xf: {  	s28 =	sadd.s32 $0x25800, s25;
	s9 =	sadd.s32 s10, s24;
	s31 =	sor.u32 $0x800, s11  }
0x10: {  	s11 =	smax.u32 s16, $0x1;
	s15 =	sor.u32 @!p0 $0x1C04, s15;
	s16 =	sshrl.u32 @!p0 s17, $0x3  }
.Ltmp0:
0x11: {  	s17 =	simm.s32 $0x4;
	s24 =	simm.s32 $0x3;
	(pc) =	sbr.rel .LBB2_1-.Ltmp0, $4  }
0x12: {  	s25 =	simm.s32 $0x0;
	s6 =	sadd.s32 s4, s28;
	s30 =	sshrl.u32 s23, $0x3  }
0x13: {  	s10 =	sadd.s32 s10, s28;
	s14 =	sshrl.u32 s31, $0x3;
	s23 =	simm.s32 $0x2  }
0x14: {  	s7 =	sadd.s32 s13, s30;
	s8 =	sadd.s32 s12, s30;
	s12 =	sadd.s32 s14, s12  }
0x15: {  	s13 =	sadd.s32 s14, s13;
	s14 =	sshrl.u32 @p0 s18, $0x3;
	s18 =	simm.s32 $0x1000  }
.LBB2_4:
0x16: {  	[bflag:$0x0] =	sbarrier.arrive $0xFFFF;
	s0 =	simm.s32 @p0 $0x1FC4  }
0x17: {  	[hbm:s10], [sflag:s0] =	dma.local @p0 [spmem:s14], $0x1900  }
0x18: {  	s0 =	simm.s32 @p0 $0x4  }
0x19: {  	s25 =	sadd.s32 $0x1, s25;
	_ =	swait.ge @p0 [sflag:s0], $0x1900  }
0x1a: {  	p1 =	sne.s32 s25, s11;
	[sflag:s0] =	ssyncset.done @p0 $0x0  }
.Ltmp1:
0x1b: {  	[sflag:s0] =	ssyncadd.s32 @p0 $0xFFFFE700;
	s0 =	simm.s32 @!p0 $0x4;
	(pc) =	sbr.rel @!p1 .LBB2_5-.Ltmp1, $4  }
0x1c: {  	[hbm:s9], [sflag:s15] =	dma.local @!p0 [spmem:s16], $0x2800  }
0x1d: {  	_ =	swait.ge @!p0 [sflag:s0], $0x2800  }
0x1e: {  	[sflag:s0] =	ssyncset.done @!p0 $0x0  }
0x1f: {  	[sflag:s0] =	ssyncadd.s32 @!p0 $0xFFFFD800  }
.LBB2_1:
0x20: {  	s26 =	simm.s32 @p0 $0x1FC4  }
0x21: {  	[spmem:s14], [sflag:s26] =	dma.local @p0 [hbm:s6], $0x1900  }
0x22: {  	s26 =	simm.s32 @p0 $0x4  }
0x23: {  	_ =	swait.ge @p0 [sflag:s26], $0x1900  }
0x24: {  	[sflag:s26] =	ssyncset.done @p0 $0x0  }
0x25: {  	[sflag:s26] =	ssyncadd.s32 @p0 $0xFFFFE700;
	s26 =	simm.s32 @!p0 $0x4  }
0x26: {  	[spmem:s16], [sflag:s15] =	dma.local @!p0 [hbm:s5], $0x2800  }
0x27: {  	_ =	swait.ge @!p0 [sflag:s26], $0x2800  }
0x28: {  	[sflag:s26] =	ssyncset.done @!p0 $0x0  }
0x29: {  	[sflag:s26] =	ssyncadd.s32 @!p0 $0xFFFFD800  }
0x2a: {  	[bflag:$0x0] =	sbarrier.arrive $0xFFFF  }
0x2b: {  	[tilespmem:s2], [sflag:$0x4] =	stream.linear.gather [hbm4b:s7+s2], $0x500, $0x38;
	[tilespmem:$0x1C080] =	vst v63  }
0x2c: {  	_ =	swait.ge [sflag:s17], $0x500  }
0x2d: {  	[sflag:s17] =	ssyncset.done $0x0  }
0x2e: {  	[sflag:s17] =	ssyncadd.s32 $0xFFFFFB00  }
0x2f: {  	[tilespmem:s18], [sflag:$0x4] =	stream.linear.gather [hbm4b:s8+s2], $0x500, $0x38;
	[tilespmem:$0x1C080] =	vst v63  }
0x30: {  	_ =	swait.ge [sflag:s17], $0x500  }
0x31: {  	s28 =	smov.u32 s12;
	[sflag:s17] =	ssyncset.done $0x0  }
0x32: {  	s29 =	simm.s32 $0x0;
	s26 =	smov.u32 s13;
	[sflag:s17] =	ssyncadd.s32 $0xFFFFFB00  }
.LBB2_2:
0x33: {  	p1 =	seq.s32 s29, $0x9800  }
0x34: {  	s30 =	sand.u32 @!p1 $0x800, s29  }
0x35: {  	s0 =	simm.s32 @!p1 $0x0;
	s31 =	sxor.u32 @!p1 $0x800, s30  }
0x36: {  	[tilespmem:s31], [sflag:$0x3] =	stream.linear.gather @!p1 [hbm4b:s26+s0], $0x500, $0x38;
	[tilespmem:$0x1C080] =	vst v63  }
0x37: {  	s31 =	sxor.u32 @!p1 $0x1800, s30  }
0x38: {  	[tilespmem:s31], [sflag:$0x3] =	stream.linear.gather @!p1 [hbm4b:s28+s0], $0x500, $0x38;
	[tilespmem:$0x1C080] =	vst v63  }
0x39: {  	s30 =	simm.s32 @p1 $0x800  }
0x3a: {  	[tilespmem:s20], [sflag:$0x1] =	stream.indirect.gather [hbm4b:s4+s19], $0x80, s30, s19, $0xb8;
	[tilespmem:$0x1C080] =	vst v63  }
0x3b: {  	s31 =	sadd.s32 $0x80, s30  }
0x3c: {  	[tilespmem:s21], [sflag:$0x2] =	stream.indirect.gather [hbm4b:s4+s19], $0x80, s31, s19, $0xb8;
	[tilespmem:$0x1C080] =	vst v63  }
0x3d: {  	_ =	swait.ge [sflag:s22], $0x3200  }
0x3e: {  	[sflag:s22] =	ssyncset.done $0x0  }
0x3f: {  	s31 =	sor.u32 $0x1000, s30;
	[sflag:s22] =	ssyncadd.s32 $0xFFFFCE00  }
0x40: {  	[spmem:s1] =	stream.indirect.scatter.add.f32 [tilespmem:s20], [sflag:$0x4], $0x80, s31, s19, $0xb8;
	[tilespmem:$0x1C080] =	vst v63  }
0x41: {  	_ =	swait.ge [sflag:s17], $0x3200  }
0x42: {  	[sflag:s17] =	ssyncset.done $0x0  }
0x43: {  	s31 =	sadd.s32 $0x100, s30;
	[sflag:s17] =	ssyncadd.s32 $0xFFFFCE00  }
0x44: {  	[tilespmem:s20], [sflag:$0x1] =	stream.indirect.gather [hbm4b:s4+s19], $0x80, s31, s19, $0xb8;
	[tilespmem:$0x1C080] =	vst v63  }
0x45: {  	_ =	swait.ge [sflag:s23], $0x3200  }
0x46: {  	[sflag:s23] =	ssyncset.done $0x0  }
0x47: {  	s31 =	sadd.s32 $0x1080, s30;
	[sflag:s23] =	ssyncadd.s32 $0xFFFFCE00  }
0x48: {  	[spmem:s1] =	stream.indirect.scatter.add.f32 [tilespmem:s21], [sflag:$0x4], $0x80, s31, s19, $0xb8;
	[tilespmem:$0x1C080] =	vst v63  }
0x49: {  	_ =	swait.ge [sflag:s17], $0x3200  }
0x4a: {  	[sflag:s17] =	ssyncset.done $0x0  }
0x4b: {  	s31 =	sadd.s32 $0x180, s30;
	[sflag:s17] =	ssyncadd.s32 $0xFFFFCE00  }
0x4c: {  	[tilespmem:s21], [sflag:$0x2] =	stream.indirect.gather [hbm4b:s4+s19], $0x80, s31, s19, $0xb8;
	[tilespmem:$0x1C080] =	vst v63  }
0x4d: {  	_ =	swait.ge [sflag:s22], $0x3200  }
0x4e: {  	[sflag:s22] =	ssyncset.done $0x0  }
0x4f: {  	s31 =	sadd.s32 $0x1100, s30;
	[sflag:s22] =	ssyncadd.s32 $0xFFFFCE00  }
0x50: {  	[spmem:s1] =	stream.indirect.scatter.add.f32 [tilespmem:s20], [sflag:$0x4], $0x80, s31, s19, $0xb8;
	[tilespmem:$0x1C080] =	vst v63  }
0x51: {  	_ =	swait.ge [sflag:s17], $0x3200  }
0x52: {  	[sflag:s17] =	ssyncset.done $0x0  }
0x53: {  	s31 =	sadd.s32 $0x200, s30;
	[sflag:s17] =	ssyncadd.s32 $0xFFFFCE00  }
0x54: {  	[tilespmem:s20], [sflag:$0x1] =	stream.indirect.gather [hbm4b:s4+s19], $0x80, s31, s19, $0xb8;
	[tilespmem:$0x1C080] =	vst v63  }
0x55: {  	_ =	swait.ge [sflag:s23], $0x3200  }
0x56: {  	[sflag:s23] =	ssyncset.done $0x0  }
0x57: {  	s31 =	sadd.s32 $0x1180, s30;
	[sflag:s23] =	ssyncadd.s32 $0xFFFFCE00  }
0x58: {  	[spmem:s1] =	stream.indirect.scatter.add.f32 [tilespmem:s21], [sflag:$0x4], $0x80, s31, s19, $0xb8;
	[tilespmem:$0x1C080] =	vst v63  }
0x59: {  	_ =	swait.ge [sflag:s17], $0x3200  }
0x5a: {  	[sflag:s17] =	ssyncset.done $0x0  }
0x5b: {  	s31 =	sadd.s32 $0x280, s30;
	[sflag:s17] =	ssyncadd.s32 $0xFFFFCE00  }
0x5c: {  	[tilespmem:s21], [sflag:$0x2] =	stream.indirect.gather [hbm4b:s4+s19], $0x80, s31, s19, $0xb8;
	[tilespmem:$0x1C080] =	vst v63  }
0x5d: {  	_ =	swait.ge [sflag:s22], $0x3200  }
0x5e: {  	[sflag:s22] =	ssyncset.done $0x0  }
0x5f: {  	s31 =	sadd.s32 $0x1200, s30;
	[sflag:s22] =	ssyncadd.s32 $0xFFFFCE00  }
0x60: {  	[spmem:s1] =	stream.indirect.scatter.add.f32 [tilespmem:s20], [sflag:$0x4], $0x80, s31, s19, $0xb8;
	[tilespmem:$0x1C080] =	vst v63  }
0x61: {  	_ =	swait.ge [sflag:s17], $0x3200  }
0x62: {  	[sflag:s17] =	ssyncset.done $0x0  }
0x63: {  	s31 =	sadd.s32 $0x300, s30;
	[sflag:s17] =	ssyncadd.s32 $0xFFFFCE00  }
0x64: {  	[tilespmem:s20], [sflag:$0x1] =	stream.indirect.gather [hbm4b:s4+s19], $0x80, s31, s19, $0xb8;
	[tilespmem:$0x1C080] =	vst v63  }
0x65: {  	_ =	swait.ge [sflag:s23], $0x3200  }
0x66: {  	[sflag:s23] =	ssyncset.done $0x0  }
0x67: {  	s31 =	sadd.s32 $0x1280, s30;
	[sflag:s23] =	ssyncadd.s32 $0xFFFFCE00  }
0x68: {  	[spmem:s1] =	stream.indirect.scatter.add.f32 [tilespmem:s21], [sflag:$0x4], $0x80, s31, s19, $0xb8;
	[tilespmem:$0x1C080] =	vst v63  }
0x69: {  	_ =	swait.ge [sflag:s17], $0x3200  }
0x6a: {  	[sflag:s17] =	ssyncset.done $0x0  }
0x6b: {  	s31 =	sadd.s32 $0x380, s30;
	[sflag:s17] =	ssyncadd.s32 $0xFFFFCE00  }
0x6c: {  	[tilespmem:s21], [sflag:$0x2] =	stream.indirect.gather [hbm4b:s4+s19], $0x80, s31, s19, $0xb8;
	[tilespmem:$0x1C080] =	vst v63  }
0x6d: {  	_ =	swait.ge [sflag:s22], $0x3200  }
0x6e: {  	[sflag:s22] =	ssyncset.done $0x0  }
0x6f: {  	s31 =	sadd.s32 $0x1300, s30;
	[sflag:s22] =	ssyncadd.s32 $0xFFFFCE00  }
0x70: {  	[spmem:s1] =	stream.indirect.scatter.add.f32 [tilespmem:s20], [sflag:$0x4], $0x80, s31, s19, $0xb8;
	[tilespmem:$0x1C080] =	vst v63  }
0x71: {  	_ =	swait.ge [sflag:s17], $0x3200  }
0x72: {  	[sflag:s17] =	ssyncset.done $0x0  }
0x73: {  	s31 =	sadd.s32 $0x400, s30;
	[sflag:s17] =	ssyncadd.s32 $0xFFFFCE00  }
0x74: {  	[tilespmem:s20], [sflag:$0x1] =	stream.indirect.gather [hbm4b:s4+s19], $0x80, s31, s19, $0xb8;
	[tilespmem:$0x1C080] =	vst v63  }
0x75: {  	_ =	swait.ge [sflag:s23], $0x3200  }
0x76: {  	[sflag:s23] =	ssyncset.done $0x0  }
0x77: {  	s31 =	sadd.s32 $0x1380, s30;
	[sflag:s23] =	ssyncadd.s32 $0xFFFFCE00  }
0x78: {  	[spmem:s1] =	stream.indirect.scatter.add.f32 [tilespmem:s21], [sflag:$0x4], $0x80, s31, s19, $0xb8;
	[tilespmem:$0x1C080] =	vst v63  }
0x79: {  	_ =	swait.ge [sflag:s17], $0x3200  }
0x7a: {  	[sflag:s17] =	ssyncset.done $0x0  }
0x7b: {  	s31 =	sadd.s32 $0x480, s30;
	[sflag:s17] =	ssyncadd.s32 $0xFFFFCE00  }
0x7c: {  	[tilespmem:s21], [sflag:$0x2] =	stream.indirect.gather [hbm4b:s4+s19], $0x80, s31, s19, $0xb8;
	[tilespmem:$0x1C080] =	vst v63  }
0x7d: {  	_ =	swait.ge [sflag:s22], $0x3200  }
0x7e: {  	[sflag:s22] =	ssyncset.done $0x0  }
0x7f: {  	s31 =	sadd.s32 $0x1400, s30;
	[sflag:s22] =	ssyncadd.s32 $0xFFFFCE00  }
0x80: {  	[spmem:s1] =	stream.indirect.scatter.add.f32 [tilespmem:s20], [sflag:$0x4], $0x80, s31, s19, $0xb8;
	[tilespmem:$0x1C080] =	vst v63  }
0x81: {  	_ =	swait.ge [sflag:s17], $0x3200  }
0x82: {  	[sflag:s17] =	ssyncset.done $0x0  }
0x83: {  	[sflag:s17] =	ssyncadd.s32 $0xFFFFCE00  }
0x84: {  	_ =	swait.ge [sflag:s23], $0x3200  }
0x85: {  	[sflag:s23] =	ssyncset.done $0x0  }
.Ltmp2:
0x86: {  	s31 =	sadd.s32 $0x1480, s30;
	[sflag:s23] =	ssyncadd.s32 $0xFFFFCE00;
	(pc) =	sbr.rel @p1 .LBB2_4-.Ltmp2, $4  }
0x87: {  	[spmem:s1] =	stream.indirect.scatter.add.f32 [tilespmem:s21], [sflag:$0x4], $0x80, s31, s19, $0xb8;
	[tilespmem:$0x1C080] =	vst v63  }
0x88: {  	_ =	swait.ge [sflag:s17], $0x3200  }
0x89: {  	[sflag:s17] =	ssyncset.done $0x0  }
0x8a: {  	[sflag:s17] =	ssyncadd.s32 $0xFFFFCE00  }
0x8b: {  	_ =	swait.ge [sflag:s24], $0x500  }
.Ltmp3:
0x8c: {  	[sflag:s24] =	ssyncset.done $0x0;
	(pc) =	sbr.rel .LBB2_2-.Ltmp3, $4  }
0x8d: {  	[sflag:s24] =	ssyncadd.s32 $0xFFFFFB00  }
0x8e: {  	_ =	swait.ge [sflag:s24], $0x500  }
0x8f: {  	s29 =	sadd.s32 $0x800, s29;
	[sflag:s24] =	ssyncset.done $0x0  }
0x90: {  	s28 =	sadd.s32 $0x100, s28;
	s26 =	sadd.s32 $0x100, s26;
	[sflag:s24] =	ssyncadd.s32 $0xFFFFFB00  }
.LBB2_5:
0x91: {  	_ =	sfence.sel $0x180000  }
0x92: {  	[bflag:$0x0] =	sbarrier.arrive $0xFFFF  }
0x93: {  	_ =	strace $0x9000004A  }
0x94: {  	[bflag:$0x2] =	sbarrier.arrive $0xFFFF  }
0x95: {  	p0 =	sne.s32 s3, $0x0;
	s0 =	rddreg [dreg:$0x2]  }
0x96: {  	s0 =	sadd.s32 @!p0 $0x100000, s0  }
0x97: {  	[sflag:s0] =	ssyncadd.tile.s32 @!p0 $0x1;
	_ =	shalt  }
.Lfunc_end2:
_tile_overlayer_lowered:
.L_overlay_start_2:
0x98: {  	(tag) =	ssettag $0x2  }
0x99: {  	s0 =	rddreg [dreg:$0x0];
	s2 =	stileid.u32  }
0x9a: {  	s1 =	rddreg [dreg:$0x1];
	p0 =	sne.s32 s2, $0x0  }
0x9b: {  	s3 =	rddreg [dreg:$0x2];
	[bflag:$0x3] =	sbarrier.arrive $0xFFFF;
	s2 =	simm.s32 @!p0 $0x1C04  }
0x9c: {  	[timem:s3], [sflag:s2] =	dma.local @!p0 [hbm:s0], s1  }
0x9d: {  	s0 =	simm.s32 @!p0 $0x4  }
0x9e: {  	_ =	swait.ge @!p0 [sflag:s0], s1  }
0x9f: {  	s1 =	ssub.s32 @!p0 $0x0, s1;
	[sflag:s0] =	ssyncset.done @!p0 $0x0  }
0xa0: {  	[sflag:s0] =	ssyncadd.s32 @!p0 s1  }
0xa1: {  	[bflag:$0x3] =	sbarrier.arrive $0xFFFF  }
0xa2: {  	_ =	shalt  }

// kernel: kernel.14.cloned.1.call-start
scs
__scs_entry_jumppad:
0x0: {  	(pc) =	sbr.rel $0x88, $3  }
0x1: {  	(tag) =	ssettag $0x0;
	lr =	simm.s32 $0x1  }
0x2: {  	[smem:$0x3F97] =	sst lr;
	_ =	strace $0xD0000000  }
0x3: {  	_ = 	snop  }
0x4: {  	_ = 	snop  }
0x5: {  	_ = 	snop  }
0x6: {  	_ = 	snop  }
0x7: {  	_ = 	snop  }
__scs_overlays_trampoline_lowered:
0x8: {  	[smem:$0x3FA6] =	sst s0  }
0x9: {  	[smem:$0x3FA7] =	sst s1  }
0xa: {  	[smem:$0x3FA8] =	sst s2  }
0xb: {  	[smem:$0x3FA9] =	sst s3  }
0xc: {  	[smem:$0x3FAA] =	sst s4  }
0xd: {  	[smem:$0x3FAB] =	sst s5  }
0xe: {  	[smem:$0x3FAC] =	sst s6  }
0xf: {  	[smem:$0x3FAD] =	sst s7  }
0x10: {  	[smem:$0x3FAE] =	sst s8  }
0x11: {  	[smem:$0x3FAF] =	sst s9;
	s0 =	simm.s32 @!p0 $0x0  }
0x12: {  	s1 =	sld [smem:$0x3F95];
	s0 =	simm.s32 @p0 $0x1  }
0x13: {  	[smem:$0x3FB0] =	sst s0;
	s0 =	simm.s32 @!p1 $0x0  }
0x14: {  	s2 =	sld [smem:$0x3F94];
	s0 =	simm.s32 @p1 $0x1  }
0x15: {  	[smem:$0x3FB1] =	sst s0;
	s0 =	simm.s32 @!p2 $0x0  }
0x16: {  	s3 =	sld [smem:$0x3FDB];
	s0 =	simm.s32 @p2 $0x1  }
0x17: {  	s4 =	simm.s32 $0x1BF5;
	[smem:$0x3FB3] =	sst s0  }
0x18: {  	s0 =	sld [smem:$0x3F96];
	_ =	swait.ge [sflag:s4], $0x0  }
0x19: {  	s7 =	sld [smem:$0x3F97]  }
0x1a: {  	s8 =	sadd.s32 $0xFFFFE003, lr  }
0x1b: {  	s9 =	sadd.s32 $0xFFFFFEF7, lr;
	s5 =	simm.s32 $0xFFFFFFFF;
	p2 =	slt.u32 s8, $0xFFFFF086  }
0x1c: {  	p1 =	slt.u32 s9, $0xF7A;
	s5 =	simm.s32 @!p2 $0x0  }
0x1d: {  	s5 =	simm.s32 @p1 $0x1;
	p0 =	seq.s32 s7, s2  }
0x1e: {  	s7 =	smul.u32 @!p0 $0xF7A, s2;
	p2 =	seq.s32 @!p0 s5, $0x0  }
0x1f: {  	s9 =	smul.u32 $0xF7A, s1;
	s8 =	simm.s32 @!p0 $0x1BF5;
	p2 =	por !p2, p0  }
0x20: {  	[sflag:s8] =	ssyncset.s32 @!p0 $0xFFFFF086;
	s6 =	sadd.s32 @!p0 s3, s7;
	s7 =	simm.s32 @!p0 $0x108  }
0x21: {  	s3 =	sadd.s32 s3, s9;
	s6 =	sadd.s32 @!p0 $0x88, s6;
	s7 =	simm.s32 @p2 $0x1082  }
0x22: {  	[simem:s7], [sflag:s8] =	dma.local @!p0 [hbm:s6], $0xF7A  }
0x23: {  	s9 =	sor.u32 $0xD0000000, s2;
	s6 =	simm.s32 $0x108;
	_ =	swait.ge @!p0 [sflag:s8], $0x0  }
0x24: {  	s3 =	sadd.s32 $0x88, s3;
	s6 =	simm.s32 @!p1 $0x1082;
	[sflag:s4] =	ssyncset.s32 $0xFFFFF086  }
0x25: {  	[simem:s6], [sflag:s4] =	dma.local [hbm:s3], $0xF7A  }
0x26: {  	[smem:$0x3F97] =	sst s1;
	(tag) =	ssettag s2;
	_ =	strace s9  }
0x27: {  	s1 =	sld [smem:$0x3FA7]  }
0x28: {  	s2 =	sld [smem:$0x3FA8]  }
0x29: {  	s4 =	sld [smem:$0x3FAA]  }
0x2a: {  	p0 =	seq.s32 s5, $0x0;
	s5 =	sld [smem:$0x3FAB]  }
0x2b: {  	s6 =	sld [smem:$0x3FAC]  }
0x2c: {  	s7 =	sld [smem:$0x3FAD]  }
0x2d: {  	s3 =	simm.s32 $0x108;
	s8 =	sld [smem:$0x3FAE]  }
0x2e: {  	s3 =	simm.s32 @!p0 $0x1082;
	s9 =	sld [smem:$0x3FAF]  }
0x2f: {  	lr =	sadd.s32 s0, s3;
	s0 =	sld [smem:$0x3FA6]  }
0x30: {  	s3 =	sld [smem:$0x3FA9]  }
0x31: {  	[smem:$0x3FB2] =	sst s10  }
0x32: {  	s10 =	sld [smem:$0x3FB0];
	_ =	sdelay $0x3  }
0x33: {  	p0 =	seq.s32 s10, $0x1;
	s10 =	sld [smem:$0x3FB2];
	_ =	sdelay $0x3  }
0x34: {  	[smem:$0x3FB2] =	sst s10  }
0x35: {  	s10 =	sld [smem:$0x3FB1];
	_ =	sdelay $0x3  }
0x36: {  	p1 =	seq.s32 s10, $0x1;
	s10 =	sld [smem:$0x3FB2];
	_ =	sdelay $0x3  }
0x37: {  	[smem:$0x3FB2] =	sst s10  }
0x38: {  	s10 =	sld [smem:$0x3FB3]  }
0x39: {  	_ = 	snop;
	(pc) =	sbr.ind lr, $3  }
0x3a: {  	_ = 	snop  }
0x3b: {  	_ = 	snop  }
0x3c: {  	p2 =	seq.s32 s10, $0x1;
	s10 =	sld [smem:$0x3FB2]  }
0x3d: {  	_ =	shalt  }
0x3e: {  	_ =	shalt  }
0x3f: {  	_ =	shalt  }
0x40: {  	_ =	shalt  }
0x41: {  	_ =	shalt  }
0x42: {  	_ =	shalt  }
0x43: {  	_ =	shalt  }
0x44: {  	_ =	shalt  }
0x45: {  	_ =	shalt  }
0x46: {  	_ =	shalt  }
0x47: {  	_ =	shalt  }
0x48: {  	_ =	shalt  }
0x49: {  	_ =	shalt  }
0x4a: {  	_ =	shalt  }
0x4b: {  	_ =	shalt  }
0x4c: {  	_ =	shalt  }
0x4d: {  	_ =	shalt  }
0x4e: {  	_ =	shalt  }
0x4f: {  	_ =	shalt  }
0x50: {  	_ =	shalt  }
0x51: {  	_ =	shalt  }
0x52: {  	_ =	shalt  }
0x53: {  	_ =	shalt  }
0x54: {  	_ =	shalt  }
0x55: {  	_ =	shalt  }
0x56: {  	_ =	shalt  }
0x57: {  	_ =	shalt  }
0x58: {  	_ =	shalt  }
0x59: {  	_ =	shalt  }
0x5a: {  	_ =	shalt  }
0x5b: {  	_ =	shalt  }
0x5c: {  	_ =	shalt  }
0x5d: {  	_ =	shalt  }
0x5e: {  	_ =	shalt  }
0x5f: {  	_ =	shalt  }
0x60: {  	_ =	shalt  }
0x61: {  	_ =	shalt  }
0x62: {  	_ =	shalt  }
0x63: {  	_ =	shalt  }
0x64: {  	_ =	shalt  }
0x65: {  	_ =	shalt  }
0x66: {  	_ =	shalt  }
0x67: {  	_ =	shalt  }
0x68: {  	_ =	shalt  }
0x69: {  	_ =	shalt  }
0x6a: {  	_ =	shalt  }
0x6b: {  	_ =	shalt  }
0x6c: {  	_ =	shalt  }
0x6d: {  	_ =	shalt  }
0x6e: {  	_ =	shalt  }
0x6f: {  	_ =	shalt  }
0x70: {  	_ =	shalt  }
0x71: {  	_ =	shalt  }
0x72: {  	_ =	shalt  }
0x73: {  	_ =	shalt  }
0x74: {  	_ =	shalt  }
0x75: {  	_ =	shalt  }
0x76: {  	_ =	shalt  }
0x77: {  	_ =	shalt  }
0x78: {  	_ =	shalt  }
0x79: {  	_ =	shalt  }
0x7a: {  	_ =	shalt  }
0x7b: {  	_ =	shalt  }
0x7c: {  	_ =	shalt  }
0x7d: {  	_ =	shalt  }
0x7e: {  	_ =	shalt  }
0x7f: {  	_ =	shalt  }
0x80: {  	_ =	shalt  }
0x81: {  	_ =	shalt  }
0x82: {  	_ =	shalt  }
0x83: {  	_ =	shalt  }
0x84: {  	_ =	shalt  }
0x85: {  	_ =	shalt  }
0x86: {  	_ =	shalt  }
0x87: {  	_ =	shalt  }
.Lfunc_end0:
.L_simem_size_0:
called_computation.2_lowered:
.L_overlay_start_0:
0x88: {  	s2 =	sld [smem:$0x3FD9]  }
0x89: {  	s3 =	sld [smem:$0x3FFE];
	_ =	sdelay $0x1  }
0x8a: {  	s1 =	srdreg.scid  }
0x8b: {  	s0 =	sand.u32 $0x1, s1  }
0x8c: {  	s16 =	sshll.u32 s0, $0xA;
	s2 =	sadd.s32 s3, s2  }
0x8d: {  	s2 =	sadd.s32 s2, s16  }
0x8e: {  	[smem:$0x3FBE] =	sst s2  }
0x8f: {  	_ = 	snop  }
0x90: {  	(tm) =	ssettm $0x1  }
0x91: {  	s17 =	sld [smem:$0x3FFB];
	_ =	sdelay $0x3  }
0x92: {  	_ =	strace s17  }
0x93: {  	s2 =	sld [smem:$0x3FFC];
	_ =	sdelay $0x3  }
0x94: {  	_ =	strace s2  }
0x95: {  	s2 =	sld [smem:$0x3FFD];
	_ =	sdelay $0x3  }
0x96: {  	_ =	strace s2  }
0x97: {  	_ =	strace $0x8FFFFFFF  }
0x98: {  	s18 =	sld [smem:$0x3FDB];
	_ =	sdelay $0x1  }
0x99: {  	s19 =	simm.s32 $_scs_section_size  }
0x9a: {  	s4 =	simm.s32 $_size__tile_overlayer_lowered;
	s5 =	simm.s32 $_tile_overlayer_lowered  }
0x9b: {  	s22 =	simm.s32 $0x1BFF;
	s21 =	sshll.u32 s5, $0x1;
	s2 =	sadd.s32 s19, s18  }
0x9c: {  	s6 =	simm.s32 $0x0;
	s20 =	sshll.u32 s4, $0x1;
	s4 =	sadd.s32 s21, s2  }
0x9d: {  	[timem:s6], [sflag:s22] =	dma.local [hbm:s4], s20  }
0x9e: {  	_ =	swait.ge [sflag:s22], s20  }
0x9f: {  	s3 =	ssub.s32 $0x0, s20;
	[sflag:s22] =	ssyncset.done $0x0  }
0xa0: {  	[sflag:s22] =	ssyncadd.s32 s3;
	_ =	sdelay $0x1  }
0xa1: {  	s23 =	simm.s32 $0x1B8B  }
0xa2: {  	_ =	swait.ge [sflag:s23], $0x1  }
0xa3: {  	[sflag:s23] =	ssyncset.done $0x0  }
0xa4: {  	s25 =	simm.s32 $0x1B8E;
	s24 =	sld [smem:$0x3FFE];
	[sflag:s23] =	ssyncadd.s32 $0xFFFFFFFF  }
0xa5: {  	s26 =	simm.s32 $execute0_lowered;
	[smem:$0x3FD2] =	sst s25  }
0xa6: {  	s4 =	sshll.u32 s26, $0x1;
	_ =	strace $0x8000004C;
	[dreg:$0x1] =	wrdreg $0xFFFFFFFF  }
0xa7: {  	s28 =	simm.s32 $_size_execute0_lowered;
	s2 =	sadd.s32 s2, s4;
	[dreg:$0x0] =	wrdreg $0x0  }
0xa8: {  	s4 =	sshll.u32 s28, $0x1;
	[dreg:$0x2] =	wrdreg s2  }
0xa9: {  	[dreg:$0x3] =	wrdreg s4  }
0xaa: {  	[dreg:$0x4] =	wrdreg $0xC0  }
0xab: {  	_ =	task [dreg:s6], $0x5FFFF  }
0xac: {  	[dreg:$0x1] =	wrdreg $0xFFFFFFFF  }
0xad: {  	[dreg:$0x0] =	wrdreg $0x60  }
0xae: {  	[dreg:$0x2] =	wrdreg s24  }
0xaf: {  	[dreg:$0x3] =	wrdreg $0x88000  }
0xb0: {  	[dreg:$0x4] =	wrdreg $0x9  }
0xb1: {  	_ =	task.clear_ibuf [dreg:s6], $0x5FFFF;
	_ =	strace $0x9000004C  }
0xb2: {  	s29 =	simm.s32 $0x9;
	_ =	strace $0x8000004E  }
0xb3: {  	_ =	swait.ge [sflag:s29], $0x1  }
0xb4: {  	[sflag:s29] =	ssyncadd.s32 $0xFFFFFFFF  }
0xb5: {  	_ =	strace $0x9000004E  }
0xb6: {  	_ =	sfence  }
0xb7: {  	s30 =	sld [smem:$0x0];
	_ =	sdelay $0x2  }
0xb8: {  	s31 =	sshll.u32 s1, $0xD;
	s1 =	sshrl.u32 s1, $0x2  }
0xb9: {  	s3 =	sand.u32 $0x4000, s31;
	s1 =	sadd.s32 s1, s30  }
0xba: {  	s0 =	sor.u32 s3, s0;
	s1 =	sshll.u32 s1, $0x11  }
0xbb: {  	s0 =	sor.u32 s1, s0  }
0xbc: {  	s0 =	sadd.s32 $0x8F2B, s0  }
0xbd: {  	[sflag:s0] =	ssyncadd.remote.s32 $0x1  }
0xbe: {  	_ =	sfence.sel $0xFFFF  }
0xbf: {  	[dreg:$0x0] =	wrdreg $0xFFFFFFFF;
	(pc) =	sbr.abs _section_cstart, $3  }
0xc0: {  	[dreg:$0x1] =	wrdreg $0xFFFFFFFF  }
0xc1: {  	_ =	task.clear_ibuf [dreg:s6], $0x2FFFF;
	_ =	strace $0x9FFFFFFF  }
0xc2: {  	(tm) =	ssettm $0x7FFFFFFF  }
0xc3: {  	_ =	shalt  }
tec
execute0_lowered:
.L_overlay_start_1:
0x0: {  	(tag) =	ssettag $0x1  }
0x1: {  	s5 =	rddreg [dreg:$0x0]  }
0x2: {  	s1 =	rddreg [dreg:$0x1]  }
0x3: {  	s2 =	simm.s32 $0x0;
	s6 =	srdreg.scid;
	s3 =	stileid.u32  }
0x4: {  	s19 =	simm.s32 $0x64;
	s20 =	simm.s32 $0x2000;
	s21 =	simm.s32 $0x5400  }
0x5: {  	[smem:$0x7FF] =	sst s2;
	s4 =	sadd.s32 $0x70A00, s5;
	s7 =	smul.u32 $0x50000, s3  }
0x6: {  	s13 =	sadd.s32 $0x48A00, s5;
	s12 =	sadd.s32 $0x20A00, s5;
	s14 =	smul.u32 $0x2800, s3  }
0x7: {  	s6 =	sand.u32 $0x1, s6;
	s10 =	sadd.s32 $0x10CE00, s5;
	s29 =	smul.u32 $0xA000, s3  }
0x8: {  	s18 =	sadd.s32 $0x12C000, s1;
	p0 =	seq.s32 s3, $0xF;
	s8 =	smul.u32 $0x27100, s6  }
0x9: {  	_ =	strace $0x8000004D;
	s15 =	smul.u32 $0x138800, s6  }
0xa: {  	s22 =	ssub.s32 $0x2, s6;
	s11 =	sshll.u32 s6, $0x4;
	s26 =	smul.u32 $0xA0000, s6  }
0xb: {  	s9 =	sshrl.u32 s22, $0x1;
	s11 =	sor.u32 s3, s11;
	s7 =	sshrl.u32 s7, $0x2  }
0xc: {  	s16 =	ssub.s32 s22, s9;
	s17 =	sadd.s32 s7, s1;
	s23 =	smul.u32 $0xA000, s11  }
0xd: {  	s24 =	sadd.s32 s14, s8;
	s25 =	sshrl.u32 s15, $0x3;
	s11 =	sadd.s32 s29, s26  }
0xe: {  	s15 =	sshll.u32 @!p0 s3, $0x6;
	s22 =	simm.s32 $0x1;
	s5 =	sadd.s32 s4, s24  }
0xf: {  	s28 =	sadd.s32 $0x25800, s25;
	s9 =	sadd.s32 s10, s24;
	s31 =	sor.u32 $0x800, s11  }
0x10: {  	s11 =	smax.u32 s16, $0x1;
	s15 =	sor.u32 @!p0 $0x1C04, s15;
	s16 =	sshrl.u32 @!p0 s17, $0x3  }
.Ltmp0:
0x11: {  	s17 =	simm.s32 $0x4;
	s24 =	simm.s32 $0x3;
	(pc) =	sbr.rel .LBB2_1-.Ltmp0, $4  }
0x12: {  	s25 =	simm.s32 $0x0;
	s6 =	sadd.s32 s4, s28;
	s30 =	sshrl.u32 s23, $0x3  }
0x13: {  	s10 =	sadd.s32 s10, s28;
	s14 =	sshrl.u32 s31, $0x3;
	s23 =	simm.s32 $0x2  }
0x14: {  	s7 =	sadd.s32 s13, s30;
	s8 =	sadd.s32 s12, s30;
	s12 =	sadd.s32 s14, s12  }
0x15: {  	s13 =	sadd.s32 s14, s13;
	s14 =	sshrl.u32 @p0 s18, $0x3;
	s18 =	simm.s32 $0x1000  }
.LBB2_4:
0x16: {  	[bflag:$0x0] =	sbarrier.arrive $0xFFFF;
	s0 =	simm.s32 @p0 $0x1FC4  }
0x17: {  	[hbm:s10], [sflag:s0] =	dma.local @p0 [spmem:s14], $0x1900  }
0x18: {  	s0 =	simm.s32 @p0 $0x4  }
0x19: {  	s25 =	sadd.s32 $0x1, s25;
	_ =	swait.ge @p0 [sflag:s0], $0x1900  }
0x1a: {  	p1 =	sne.s32 s25, s11;
	[sflag:s0] =	ssyncset.done @p0 $0x0  }
.Ltmp1:
0x1b: {  	[sflag:s0] =	ssyncadd.s32 @p0 $0xFFFFE700;
	s0 =	simm.s32 @!p0 $0x4;
	(pc) =	sbr.rel @!p1 .LBB2_5-.Ltmp1, $4  }
0x1c: {  	[hbm:s9], [sflag:s15] =	dma.local @!p0 [spmem:s16], $0x2800  }
0x1d: {  	_ =	swait.ge @!p0 [sflag:s0], $0x2800  }
0x1e: {  	[sflag:s0] =	ssyncset.done @!p0 $0x0  }
0x1f: {  	[sflag:s0] =	ssyncadd.s32 @!p0 $0xFFFFD800  }
.LBB2_1:
0x20: {  	s26 =	simm.s32 @p0 $0x1FC4  }
0x21: {  	[spmem:s14], [sflag:s26] =	dma.local @p0 [hbm:s6], $0x1900  }
0x22: {  	s26 =	simm.s32 @p0 $0x4  }
0x23: {  	_ =	swait.ge @p0 [sflag:s26], $0x1900  }
0x24: {  	[sflag:s26] =	ssyncset.done @p0 $0x0  }
0x25: {  	[sflag:s26] =	ssyncadd.s32 @p0 $0xFFFFE700;
	s26 =	simm.s32 @!p0 $0x4  }
0x26: {  	[spmem:s16], [sflag:s15] =	dma.local @!p0 [hbm:s5], $0x2800  }
0x27: {  	_ =	swait.ge @!p0 [sflag:s26], $0x2800  }
0x28: {  	[sflag:s26] =	ssyncset.done @!p0 $0x0  }
0x29: {  	[sflag:s26] =	ssyncadd.s32 @!p0 $0xFFFFD800  }
0x2a: {  	[bflag:$0x0] =	sbarrier.arrive $0xFFFF  }
0x2b: {  	[tilespmem:s2], [sflag:$0x4] =	stream.linear.gather [hbm4b:s7+s2], $0x500, $0x38;
	[tilespmem:$0x1C080] =	vst v63  }
0x2c: {  	_ =	swait.ge [sflag:s17], $0x500  }
0x2d: {  	[sflag:s17] =	ssyncset.done $0x0  }
0x2e: {  	[sflag:s17] =	ssyncadd.s32 $0xFFFFFB00  }
0x2f: {  	[tilespmem:s18], [sflag:$0x4] =	stream.linear.gather [hbm4b:s8+s2], $0x500, $0x38;
	[tilespmem:$0x1C080] =	vst v63  }
0x30: {  	_ =	swait.ge [sflag:s17], $0x500  }
0x31: {  	s28 =	smov.u32 s12;
	[sflag:s17] =	ssyncset.done $0x0  }
0x32: {  	s29 =	simm.s32 $0x0;
	s26 =	smov.u32 s13;
	[sflag:s17] =	ssyncadd.s32 $0xFFFFFB00  }
.LBB2_2:
0x33: {  	p1 =	seq.s32 s29, $0x9800  }
0x34: {  	s30 =	sand.u32 @!p1 $0x800, s29  }
0x35: {  	s0 =	simm.s32 @!p1 $0x0;
	s31 =	sxor.u32 @!p1 $0x800, s30  }
0x36: {  	[tilespmem:s31], [sflag:$0x3] =	stream.linear.gather @!p1 [hbm4b:s26+s0], $0x500, $0x38;
	[tilespmem:$0x1C080] =	vst v63  }
0x37: {  	s31 =	sxor.u32 @!p1 $0x1800, s30  }
0x38: {  	[tilespmem:s31], [sflag:$0x3] =	stream.linear.gather @!p1 [hbm4b:s28+s0], $0x500, $0x38;
	[tilespmem:$0x1C080] =	vst v63  }
0x39: {  	s30 =	simm.s32 @p1 $0x800  }
0x3a: {  	[tilespmem:s20], [sflag:$0x1] =	stream.indirect.gather [hbm4b:s4+s19], $0x80, s30, s19, $0xb8;
	[tilespmem:$0x1C080] =	vst v63  }
0x3b: {  	s31 =	sadd.s32 $0x80, s30  }
0x3c: {  	[tilespmem:s21], [sflag:$0x2] =	stream.indirect.gather [hbm4b:s4+s19], $0x80, s31, s19, $0xb8;
	[tilespmem:$0x1C080] =	vst v63  }
0x3d: {  	_ =	swait.ge [sflag:s22], $0x3200  }
0x3e: {  	[sflag:s22] =	ssyncset.done $0x0  }
0x3f: {  	s31 =	sor.u32 $0x1000, s30;
	[sflag:s22] =	ssyncadd.s32 $0xFFFFCE00  }
0x40: {  	[spmem:s1] =	stream.indirect.scatter.add.f32 [tilespmem:s20], [sflag:$0x4], $0x80, s31, s19, $0xb8;
	[tilespmem:$0x1C080] =	vst v63  }
0x41: {  	_ =	swait.ge [sflag:s17], $0x3200  }
0x42: {  	[sflag:s17] =	ssyncset.done $0x0  }
0x43: {  	s31 =	sadd.s32 $0x100, s30;
	[sflag:s17] =	ssyncadd.s32 $0xFFFFCE00  }
0x44: {  	[tilespmem:s20], [sflag:$0x1] =	stream.indirect.gather [hbm4b:s4+s19], $0x80, s31, s19, $0xb8;
	[tilespmem:$0x1C080] =	vst v63  }
0x45: {  	_ =	swait.ge [sflag:s23], $0x3200  }
0x46: {  	[sflag:s23] =	ssyncset.done $0x0  }
0x47: {  	s31 =	sadd.s32 $0x1080, s30;
	[sflag:s23] =	ssyncadd.s32 $0xFFFFCE00  }
0x48: {  	[spmem:s1] =	stream.indirect.scatter.add.f32 [tilespmem:s21], [sflag:$0x4], $0x80, s31, s19, $0xb8;
	[tilespmem:$0x1C080] =	vst v63  }
0x49: {  	_ =	swait.ge [sflag:s17], $0x3200  }
0x4a: {  	[sflag:s17] =	ssyncset.done $0x0  }
0x4b: {  	s31 =	sadd.s32 $0x180, s30;
	[sflag:s17] =	ssyncadd.s32 $0xFFFFCE00  }
0x4c: {  	[tilespmem:s21], [sflag:$0x2] =	stream.indirect.gather [hbm4b:s4+s19], $0x80, s31, s19, $0xb8;
	[tilespmem:$0x1C080] =	vst v63  }
0x4d: {  	_ =	swait.ge [sflag:s22], $0x3200  }
0x4e: {  	[sflag:s22] =	ssyncset.done $0x0  }
0x4f: {  	s31 =	sadd.s32 $0x1100, s30;
	[sflag:s22] =	ssyncadd.s32 $0xFFFFCE00  }
0x50: {  	[spmem:s1] =	stream.indirect.scatter.add.f32 [tilespmem:s20], [sflag:$0x4], $0x80, s31, s19, $0xb8;
	[tilespmem:$0x1C080] =	vst v63  }
0x51: {  	_ =	swait.ge [sflag:s17], $0x3200  }
0x52: {  	[sflag:s17] =	ssyncset.done $0x0  }
0x53: {  	s31 =	sadd.s32 $0x200, s30;
	[sflag:s17] =	ssyncadd.s32 $0xFFFFCE00  }
0x54: {  	[tilespmem:s20], [sflag:$0x1] =	stream.indirect.gather [hbm4b:s4+s19], $0x80, s31, s19, $0xb8;
	[tilespmem:$0x1C080] =	vst v63  }
0x55: {  	_ =	swait.ge [sflag:s23], $0x3200  }
0x56: {  	[sflag:s23] =	ssyncset.done $0x0  }
0x57: {  	s31 =	sadd.s32 $0x1180, s30;
	[sflag:s23] =	ssyncadd.s32 $0xFFFFCE00  }
0x58: {  	[spmem:s1] =	stream.indirect.scatter.add.f32 [tilespmem:s21], [sflag:$0x4], $0x80, s31, s19, $0xb8;
	[tilespmem:$0x1C080] =	vst v63  }
0x59: {  	_ =	swait.ge [sflag:s17], $0x3200  }
0x5a: {  	[sflag:s17] =	ssyncset.done $0x0  }
0x5b: {  	s31 =	sadd.s32 $0x280, s30;
	[sflag:s17] =	ssyncadd.s32 $0xFFFFCE00  }
0x5c: {  	[tilespmem:s21], [sflag:$0x2] =	stream.indirect.gather [hbm4b:s4+s19], $0x80, s31, s19, $0xb8;
	[tilespmem:$0x1C080] =	vst v63  }
0x5d: {  	_ =	swait.ge [sflag:s22], $0x3200  }
0x5e: {  	[sflag:s22] =	ssyncset.done $0x0  }
0x5f: {  	s31 =	sadd.s32 $0x1200, s30;
	[sflag:s22] =	ssyncadd.s32 $0xFFFFCE00  }
0x60: {  	[spmem:s1] =	stream.indirect.scatter.add.f32 [tilespmem:s20], [sflag:$0x4], $0x80, s31, s19, $0xb8;
	[tilespmem:$0x1C080] =	vst v63  }
0x61: {  	_ =	swait.ge [sflag:s17], $0x3200  }
0x62: {  	[sflag:s17] =	ssyncset.done $0x0  }
0x63: {  	s31 =	sadd.s32 $0x300, s30;
	[sflag:s17] =	ssyncadd.s32 $0xFFFFCE00  }
0x64: {  	[tilespmem:s20], [sflag:$0x1] =	stream.indirect.gather [hbm4b:s4+s19], $0x80, s31, s19, $0xb8;
	[tilespmem:$0x1C080] =	vst v63  }
0x65: {  	_ =	swait.ge [sflag:s23], $0x3200  }
0x66: {  	[sflag:s23] =	ssyncset.done $0x0  }
0x67: {  	s31 =	sadd.s32 $0x1280, s30;
	[sflag:s23] =	ssyncadd.s32 $0xFFFFCE00  }
0x68: {  	[spmem:s1] =	stream.indirect.scatter.add.f32 [tilespmem:s21], [sflag:$0x4], $0x80, s31, s19, $0xb8;
	[tilespmem:$0x1C080] =	vst v63  }
0x69: {  	_ =	swait.ge [sflag:s17], $0x3200  }
0x6a: {  	[sflag:s17] =	ssyncset.done $0x0  }
0x6b: {  	s31 =	sadd.s32 $0x380, s30;
	[sflag:s17] =	ssyncadd.s32 $0xFFFFCE00  }
0x6c: {  	[tilespmem:s21], [sflag:$0x2] =	stream.indirect.gather [hbm4b:s4+s19], $0x80, s31, s19, $0xb8;
	[tilespmem:$0x1C080] =	vst v63  }
0x6d: {  	_ =	swait.ge [sflag:s22], $0x3200  }
0x6e: {  	[sflag:s22] =	ssyncset.done $0x0  }
0x6f: {  	s31 =	sadd.s32 $0x1300, s30;
	[sflag:s22] =	ssyncadd.s32 $0xFFFFCE00  }
0x70: {  	[spmem:s1] =	stream.indirect.scatter.add.f32 [tilespmem:s20], [sflag:$0x4], $0x80, s31, s19, $0xb8;
	[tilespmem:$0x1C080] =	vst v63  }
0x71: {  	_ =	swait.ge [sflag:s17], $0x3200  }
0x72: {  	[sflag:s17] =	ssyncset.done $0x0  }
0x73: {  	s31 =	sadd.s32 $0x400, s30;
	[sflag:s17] =	ssyncadd.s32 $0xFFFFCE00  }
0x74: {  	[tilespmem:s20], [sflag:$0x1] =	stream.indirect.gather [hbm4b:s4+s19], $0x80, s31, s19, $0xb8;
	[tilespmem:$0x1C080] =	vst v63  }
0x75: {  	_ =	swait.ge [sflag:s23], $0x3200  }
0x76: {  	[sflag:s23] =	ssyncset.done $0x0  }
0x77: {  	s31 =	sadd.s32 $0x1380, s30;
	[sflag:s23] =	ssyncadd.s32 $0xFFFFCE00  }
0x78: {  	[spmem:s1] =	stream.indirect.scatter.add.f32 [tilespmem:s21], [sflag:$0x4], $0x80, s31, s19, $0xb8;
	[tilespmem:$0x1C080] =	vst v63  }
0x79: {  	_ =	swait.ge [sflag:s17], $0x3200  }
0x7a: {  	[sflag:s17] =	ssyncset.done $0x0  }
0x7b: {  	s31 =	sadd.s32 $0x480, s30;
	[sflag:s17] =	ssyncadd.s32 $0xFFFFCE00  }
0x7c: {  	[tilespmem:s21], [sflag:$0x2] =	stream.indirect.gather [hbm4b:s4+s19], $0x80, s31, s19, $0xb8;
	[tilespmem:$0x1C080] =	vst v63  }
0x7d: {  	_ =	swait.ge [sflag:s22], $0x3200  }
0x7e: {  	[sflag:s22] =	ssyncset.done $0x0  }
0x7f: {  	s31 =	sadd.s32 $0x1400, s30;
	[sflag:s22] =	ssyncadd.s32 $0xFFFFCE00  }
0x80: {  	[spmem:s1] =	stream.indirect.scatter.add.f32 [tilespmem:s20], [sflag:$0x4], $0x80, s31, s19, $0xb8;
	[tilespmem:$0x1C080] =	vst v63  }
0x81: {  	_ =	swait.ge [sflag:s17], $0x3200  }
0x82: {  	[sflag:s17] =	ssyncset.done $0x0  }
0x83: {  	[sflag:s17] =	ssyncadd.s32 $0xFFFFCE00  }
0x84: {  	_ =	swait.ge [sflag:s23], $0x3200  }
0x85: {  	[sflag:s23] =	ssyncset.done $0x0  }
.Ltmp2:
0x86: {  	s31 =	sadd.s32 $0x1480, s30;
	[sflag:s23] =	ssyncadd.s32 $0xFFFFCE00;
	(pc) =	sbr.rel @p1 .LBB2_4-.Ltmp2, $4  }
0x87: {  	[spmem:s1] =	stream.indirect.scatter.add.f32 [tilespmem:s21], [sflag:$0x4], $0x80, s31, s19, $0xb8;
	[tilespmem:$0x1C080] =	vst v63  }
0x88: {  	_ =	swait.ge [sflag:s17], $0x3200  }
0x89: {  	[sflag:s17] =	ssyncset.done $0x0  }
0x8a: {  	[sflag:s17] =	ssyncadd.s32 $0xFFFFCE00  }
0x8b: {  	_ =	swait.ge [sflag:s24], $0x500  }
.Ltmp3:
0x8c: {  	[sflag:s24] =	ssyncset.done $0x0;
	(pc) =	sbr.rel .LBB2_2-.Ltmp3, $4  }
0x8d: {  	[sflag:s24] =	ssyncadd.s32 $0xFFFFFB00  }
0x8e: {  	_ =	swait.ge [sflag:s24], $0x500  }
0x8f: {  	s29 =	sadd.s32 $0x800, s29;
	[sflag:s24] =	ssyncset.done $0x0  }
0x90: {  	s28 =	sadd.s32 $0x100, s28;
	s26 =	sadd.s32 $0x100, s26;
	[sflag:s24] =	ssyncadd.s32 $0xFFFFFB00  }
.LBB2_5:
0x91: {  	_ =	sfence.sel $0x180000  }
0x92: {  	[bflag:$0x0] =	sbarrier.arrive $0xFFFF  }
0x93: {  	_ =	strace $0x9000004D  }
0x94: {  	[bflag:$0x2] =	sbarrier.arrive $0xFFFF  }
0x95: {  	p0 =	sne.s32 s3, $0x0;
	s0 =	rddreg [dreg:$0x2]  }
0x96: {  	s0 =	sadd.s32 @!p0 $0x100000, s0  }
0x97: {  	[sflag:s0] =	ssyncadd.tile.s32 @!p0 $0x1;
	_ =	shalt  }
.Lfunc_end2:
_tile_overlayer_lowered:
.L_overlay_start_2:
0x98: {  	(tag) =	ssettag $0x2  }
0x99: {  	s0 =	rddreg [dreg:$0x0];
	s2 =	stileid.u32  }
0x9a: {  	s1 =	rddreg [dreg:$0x1];
	p0 =	sne.s32 s2, $0x0  }
0x9b: {  	s3 =	rddreg [dreg:$0x2];
	[bflag:$0x3] =	sbarrier.arrive $0xFFFF;
	s2 =	simm.s32 @!p0 $0x1C04  }
0x9c: {  	[timem:s3], [sflag:s2] =	dma.local @!p0 [hbm:s0], s1  }
0x9d: {  	s0 =	simm.s32 @!p0 $0x4  }
0x9e: {  	_ =	swait.ge @!p0 [sflag:s0], s1  }
0x9f: {  	s1 =	ssub.s32 @!p0 $0x0, s1;
	[sflag:s0] =	ssyncset.done @!p0 $0x0  }
0xa0: {  	[sflag:s0] =	ssyncadd.s32 @!p0 s1  }
0xa1: {  	[bflag:$0x3] =	sbarrier.arrive $0xFFFF  }
0xa2: {  	_ =	shalt  }

// kernel: kernel.8.cloned.1.call-start
scs
__scs_entry_jumppad:
0x0: {  	(pc) =	sbr.rel $0x88, $3  }
0x1: {  	(tag) =	ssettag $0x0;
	lr =	simm.s32 $0x1  }
0x2: {  	[smem:$0x3F97] =	sst lr;
	_ =	strace $0xD0000000  }
0x3: {  	_ = 	snop  }
0x4: {  	_ = 	snop  }
0x5: {  	_ = 	snop  }
0x6: {  	_ = 	snop  }
0x7: {  	_ = 	snop  }
__scs_overlays_trampoline_lowered:
0x8: {  	[smem:$0x3FA6] =	sst s0  }
0x9: {  	[smem:$0x3FA7] =	sst s1  }
0xa: {  	[smem:$0x3FA8] =	sst s2  }
0xb: {  	[smem:$0x3FA9] =	sst s3  }
0xc: {  	[smem:$0x3FAA] =	sst s4  }
0xd: {  	[smem:$0x3FAB] =	sst s5  }
0xe: {  	[smem:$0x3FAC] =	sst s6  }
0xf: {  	[smem:$0x3FAD] =	sst s7  }
0x10: {  	[smem:$0x3FAE] =	sst s8  }
0x11: {  	[smem:$0x3FAF] =	sst s9;
	s0 =	simm.s32 @!p0 $0x0  }
0x12: {  	s1 =	sld [smem:$0x3F95];
	s0 =	simm.s32 @p0 $0x1  }
0x13: {  	[smem:$0x3FB0] =	sst s0;
	s0 =	simm.s32 @!p1 $0x0  }
0x14: {  	s2 =	sld [smem:$0x3F94];
	s0 =	simm.s32 @p1 $0x1  }
0x15: {  	[smem:$0x3FB1] =	sst s0;
	s0 =	simm.s32 @!p2 $0x0  }
0x16: {  	s3 =	sld [smem:$0x3FDB];
	s0 =	simm.s32 @p2 $0x1  }
0x17: {  	s4 =	simm.s32 $0x1BF5;
	[smem:$0x3FB3] =	sst s0  }
0x18: {  	s0 =	sld [smem:$0x3F96];
	_ =	swait.ge [sflag:s4], $0x0  }
0x19: {  	s7 =	sld [smem:$0x3F97]  }
0x1a: {  	s8 =	sadd.s32 $0xFFFFE003, lr  }
0x1b: {  	s9 =	sadd.s32 $0xFFFFFEF7, lr;
	s5 =	simm.s32 $0xFFFFFFFF;
	p2 =	slt.u32 s8, $0xFFFFF086  }
0x1c: {  	p1 =	slt.u32 s9, $0xF7A;
	s5 =	simm.s32 @!p2 $0x0  }
0x1d: {  	s5 =	simm.s32 @p1 $0x1;
	p0 =	seq.s32 s7, s2  }
0x1e: {  	s7 =	smul.u32 @!p0 $0xF7A, s2;
	p2 =	seq.s32 @!p0 s5, $0x0  }
0x1f: {  	s9 =	smul.u32 $0xF7A, s1;
	s8 =	simm.s32 @!p0 $0x1BF5;
	p2 =	por !p2, p0  }
0x20: {  	[sflag:s8] =	ssyncset.s32 @!p0 $0xFFFFF086;
	s6 =	sadd.s32 @!p0 s3, s7;
	s7 =	simm.s32 @!p0 $0x108  }
0x21: {  	s3 =	sadd.s32 s3, s9;
	s6 =	sadd.s32 @!p0 $0x88, s6;
	s7 =	simm.s32 @p2 $0x1082  }
0x22: {  	[simem:s7], [sflag:s8] =	dma.local @!p0 [hbm:s6], $0xF7A  }
0x23: {  	s9 =	sor.u32 $0xD0000000, s2;
	s6 =	simm.s32 $0x108;
	_ =	swait.ge @!p0 [sflag:s8], $0x0  }
0x24: {  	s3 =	sadd.s32 $0x88, s3;
	s6 =	simm.s32 @!p1 $0x1082;
	[sflag:s4] =	ssyncset.s32 $0xFFFFF086  }
0x25: {  	[simem:s6], [sflag:s4] =	dma.local [hbm:s3], $0xF7A  }
0x26: {  	[smem:$0x3F97] =	sst s1;
	(tag) =	ssettag s2;
	_ =	strace s9  }
0x27: {  	s1 =	sld [smem:$0x3FA7]  }
0x28: {  	s2 =	sld [smem:$0x3FA8]  }
0x29: {  	s4 =	sld [smem:$0x3FAA]  }
0x2a: {  	p0 =	seq.s32 s5, $0x0;
	s5 =	sld [smem:$0x3FAB]  }
0x2b: {  	s6 =	sld [smem:$0x3FAC]  }
0x2c: {  	s7 =	sld [smem:$0x3FAD]  }
0x2d: {  	s3 =	simm.s32 $0x108;
	s8 =	sld [smem:$0x3FAE]  }
0x2e: {  	s3 =	simm.s32 @!p0 $0x1082;
	s9 =	sld [smem:$0x3FAF]  }
0x2f: {  	lr =	sadd.s32 s0, s3;
	s0 =	sld [smem:$0x3FA6]  }
0x30: {  	s3 =	sld [smem:$0x3FA9]  }
0x31: {  	[smem:$0x3FB2] =	sst s10  }
0x32: {  	s10 =	sld [smem:$0x3FB0];
	_ =	sdelay $0x3  }
0x33: {  	p0 =	seq.s32 s10, $0x1;
	s10 =	sld [smem:$0x3FB2];
	_ =	sdelay $0x3  }
0x34: {  	[smem:$0x3FB2] =	sst s10  }
0x35: {  	s10 =	sld [smem:$0x3FB1];
	_ =	sdelay $0x3  }
0x36: {  	p1 =	seq.s32 s10, $0x1;
	s10 =	sld [smem:$0x3FB2];
	_ =	sdelay $0x3  }
0x37: {  	[smem:$0x3FB2] =	sst s10  }
0x38: {  	s10 =	sld [smem:$0x3FB3]  }
0x39: {  	_ = 	snop;
	(pc) =	sbr.ind lr, $3  }
0x3a: {  	_ = 	snop  }
0x3b: {  	_ = 	snop  }
0x3c: {  	p2 =	seq.s32 s10, $0x1;
	s10 =	sld [smem:$0x3FB2]  }
0x3d: {  	_ =	shalt  }
0x3e: {  	_ =	shalt  }
0x3f: {  	_ =	shalt  }
0x40: {  	_ =	shalt  }
0x41: {  	_ =	shalt  }
0x42: {  	_ =	shalt  }
0x43: {  	_ =	shalt  }
0x44: {  	_ =	shalt  }
0x45: {  	_ =	shalt  }
0x46: {  	_ =	shalt  }
0x47: {  	_ =	shalt  }
0x48: {  	_ =	shalt  }
0x49: {  	_ =	shalt  }
0x4a: {  	_ =	shalt  }
0x4b: {  	_ =	shalt  }
0x4c: {  	_ =	shalt  }
0x4d: {  	_ =	shalt  }
0x4e: {  	_ =	shalt  }
0x4f: {  	_ =	shalt  }
0x50: {  	_ =	shalt  }
0x51: {  	_ =	shalt  }
0x52: {  	_ =	shalt  }
0x53: {  	_ =	shalt  }
0x54: {  	_ =	shalt  }
0x55: {  	_ =	shalt  }
0x56: {  	_ =	shalt  }
0x57: {  	_ =	shalt  }
0x58: {  	_ =	shalt  }
0x59: {  	_ =	shalt  }
0x5a: {  	_ =	shalt  }
0x5b: {  	_ =	shalt  }
0x5c: {  	_ =	shalt  }
0x5d: {  	_ =	shalt  }
0x5e: {  	_ =	shalt  }
0x5f: {  	_ =	shalt  }
0x60: {  	_ =	shalt  }
0x61: {  	_ =	shalt  }
0x62: {  	_ =	shalt  }
0x63: {  	_ =	shalt  }
0x64: {  	_ =	shalt  }
0x65: {  	_ =	shalt  }
0x66: {  	_ =	shalt  }
0x67: {  	_ =	shalt  }
0x68: {  	_ =	shalt  }
0x69: {  	_ =	shalt  }
0x6a: {  	_ =	shalt  }
0x6b: {  	_ =	shalt  }
0x6c: {  	_ =	shalt  }
0x6d: {  	_ =	shalt  }
0x6e: {  	_ =	shalt  }
0x6f: {  	_ =	shalt  }
0x70: {  	_ =	shalt  }
0x71: {  	_ =	shalt  }
0x72: {  	_ =	shalt  }
0x73: {  	_ =	shalt  }
0x74: {  	_ =	shalt  }
0x75: {  	_ =	shalt  }
0x76: {  	_ =	shalt  }
0x77: {  	_ =	shalt  }
0x78: {  	_ =	shalt  }
0x79: {  	_ =	shalt  }
0x7a: {  	_ =	shalt  }
0x7b: {  	_ =	shalt  }
0x7c: {  	_ =	shalt  }
0x7d: {  	_ =	shalt  }
0x7e: {  	_ =	shalt  }
0x7f: {  	_ =	shalt  }
0x80: {  	_ =	shalt  }
0x81: {  	_ =	shalt  }
0x82: {  	_ =	shalt  }
0x83: {  	_ =	shalt  }
0x84: {  	_ =	shalt  }
0x85: {  	_ =	shalt  }
0x86: {  	_ =	shalt  }
0x87: {  	_ =	shalt  }
.Lfunc_end0:
.L_simem_size_0:
called_computation_lowered:
.L_overlay_start_0:
0x88: {  	s2 =	sld [smem:$0x3FD9]  }
0x89: {  	s3 =	sld [smem:$0x3FFE];
	_ =	sdelay $0x1  }
0x8a: {  	s1 =	srdreg.scid  }
0x8b: {  	s0 =	sand.u32 $0x1, s1  }
0x8c: {  	s16 =	sshll.u32 s0, $0xA;
	s2 =	sadd.s32 s3, s2  }
0x8d: {  	s2 =	sadd.s32 s2, s16  }
0x8e: {  	[smem:$0x3FBE] =	sst s2  }
0x8f: {  	_ = 	snop  }
0x90: {  	(tm) =	ssettm $0x1  }
0x91: {  	s17 =	sld [smem:$0x3FFB];
	_ =	sdelay $0x3  }
0x92: {  	_ =	strace s17  }
0x93: {  	s2 =	sld [smem:$0x3FFC];
	_ =	sdelay $0x3  }
0x94: {  	_ =	strace s2  }
0x95: {  	s2 =	sld [smem:$0x3FFD];
	_ =	sdelay $0x3  }
0x96: {  	_ =	strace s2  }
0x97: {  	_ =	strace $0x8FFFFFFF  }
0x98: {  	s18 =	sld [smem:$0x3FDB];
	_ =	sdelay $0x1  }
0x99: {  	s19 =	simm.s32 $_scs_section_size  }
0x9a: {  	s4 =	simm.s32 $_size__tile_overlayer_lowered;
	s5 =	simm.s32 $_tile_overlayer_lowered  }
0x9b: {  	s22 =	simm.s32 $0x1BFF;
	s21 =	sshll.u32 s5, $0x1;
	s2 =	sadd.s32 s19, s18  }
0x9c: {  	s6 =	simm.s32 $0x0;
	s20 =	sshll.u32 s4, $0x1;
	s4 =	sadd.s32 s21, s2  }
0x9d: {  	[timem:s6], [sflag:s22] =	dma.local [hbm:s4], s20  }
0x9e: {  	_ =	swait.ge [sflag:s22], s20  }
0x9f: {  	s3 =	ssub.s32 $0x0, s20;
	[sflag:s22] =	ssyncset.done $0x0  }
0xa0: {  	[sflag:s22] =	ssyncadd.s32 s3;
	_ =	sdelay $0x1  }
0xa1: {  	s23 =	simm.s32 $0x1B8B  }
0xa2: {  	_ =	swait.ge [sflag:s23], $0x1  }
0xa3: {  	[sflag:s23] =	ssyncset.done $0x0  }
0xa4: {  	s25 =	simm.s32 $0x1B8E;
	s24 =	sld [smem:$0x3FFE];
	[sflag:s23] =	ssyncadd.s32 $0xFFFFFFFF  }
0xa5: {  	s26 =	simm.s32 $execute0_lowered;
	[smem:$0x3FD2] =	sst s25  }
0xa6: {  	s4 =	sshll.u32 s26, $0x1;
	_ =	strace $0x80000046;
	[dreg:$0x1] =	wrdreg $0xFFFFFFFF  }
0xa7: {  	s28 =	simm.s32 $_size_execute0_lowered;
	s2 =	sadd.s32 s2, s4;
	[dreg:$0x0] =	wrdreg $0x0  }
0xa8: {  	s4 =	sshll.u32 s28, $0x1;
	[dreg:$0x2] =	wrdreg s2  }
0xa9: {  	[dreg:$0x3] =	wrdreg s4  }
0xaa: {  	[dreg:$0x4] =	wrdreg $0xC0  }
0xab: {  	_ =	task [dreg:s6], $0x5FFFF  }
0xac: {  	[dreg:$0x1] =	wrdreg $0xFFFFFFFF  }
0xad: {  	[dreg:$0x0] =	wrdreg $0x60  }
0xae: {  	[dreg:$0x2] =	wrdreg s24  }
0xaf: {  	[dreg:$0x3] =	wrdreg $0x9  }
0xb0: {  	_ =	task.clear_ibuf [dreg:s6], $0x4FFFF;
	_ =	strace $0x90000046  }
0xb1: {  	s29 =	simm.s32 $0x9;
	_ =	strace $0x80000048  }
0xb2: {  	_ =	swait.ge [sflag:s29], $0x1  }
0xb3: {  	[sflag:s29] =	ssyncadd.s32 $0xFFFFFFFF  }
0xb4: {  	_ =	strace $0x90000048  }
0xb5: {  	_ =	sfence  }
0xb6: {  	s30 =	sld [smem:$0x0];
	_ =	sdelay $0x2  }
0xb7: {  	s31 =	sshll.u32 s1, $0xD;
	s1 =	sshrl.u32 s1, $0x2  }
0xb8: {  	s3 =	sand.u32 $0x4000, s31;
	s1 =	sadd.s32 s1, s30  }
0xb9: {  	s0 =	sor.u32 s3, s0;
	s1 =	sshll.u32 s1, $0x11  }
0xba: {  	s0 =	sor.u32 s1, s0  }
0xbb: {  	s0 =	sadd.s32 $0x8F2B, s0  }
0xbc: {  	[sflag:s0] =	ssyncadd.remote.s32 $0x1  }
0xbd: {  	_ =	sfence.sel $0xFFFF  }
0xbe: {  	[dreg:$0x0] =	wrdreg $0xFFFFFFFF;
	(pc) =	sbr.abs _section_cstart, $3  }
0xbf: {  	[dreg:$0x1] =	wrdreg $0xFFFFFFFF  }
0xc0: {  	_ =	task.clear_ibuf [dreg:s6], $0x2FFFF;
	_ =	strace $0x9FFFFFFF  }
0xc1: {  	(tm) =	ssettm $0x7FFFFFFF  }
tec
execute0_lowered:
.L_overlay_start_1:
0x0: {  	(tag) =	ssettag $0x1  }
0x1: {  	s0 =	srdreg.scid  }
0x2: {  	s3 =	sand.u32 $0x1, s0  }
0x3: {  	s4 =	rddreg [dreg:$0x0];
	s0 =	stileid.u32;
	s1 =	sshll.u32 s3, $0x4  }
0x4: {  	s2 =	simm.s32 $0x0;
	s8 =	simm.s32 $0x0;
	s5 =	sor.u32 s0, s1  }
0x5: {  	[smem:$0x7FF] =	sst s2;
	s3 =	ssub.s32 $0x2, s3;
	s6 =	smul.u32 $0x9C4, s5  }
0x6: {  	s1 =	rddreg [dreg:$0x1];
	s7 =	sshrl.u32 s3, $0x1;
	s5 =	smul.u32 $0x4E2, s5  }
0x7: {  	_ =	strace $0x80000047;
	s31 =	ssub.s32 s3, s7;
	s7 =	simm.s32 $0x4E80  }
0x8: {  	s6 =	sadd.s32 s6, s4;
	s4 =	sadd.s32 s5, s4;
	s5 =	smax.u32 s31, $0x1  }
0x9: {  	v0 =	vimm.f32 $0.0e+00;
	v1 =	vimm.f32 $1.000000000e+00;
	s3 =	sadd.s32 $0x3200, s6;
	s4 =	sadd.s32 $0x16C00, s4;
	s6 =	simm.s32 $0x1  }
.LBB2_1:
0xa: {  	s9 =	simm.s32 $0x40;
	s10 =	simm.s32 $0x0  }
.LBB2_2:
0xb: {  	p0 =	sne.s32 s9, $0x9C00;
	[tilespmem:s10+$0x4E80] =	vst v0;
	s10 =	smov.u32 s9;
	s9 =	sadd.s32 $0x40, s9  }
.Ltmp0:
0xc: {  	(pc) =	sbr.rel @p0 .LBB2_2-.Ltmp0, $2  }
0xd: {  	_ =	sdelay $0x2  }
0xe: {  	s10 =	sshra.s32 s10, $0x2  }
0xf: {  	[tilespmem:s10+$0x4E80] =	vst v0;
	s9 =	simm.s32 $0x0  }
0x10: {  	[tilespmem:s9], [sflag:$0x1] =	stream.linear.gather [hbm4b:s3+s9], $0x4E20, $0x38;
	[tilespmem:$0x7600] =	vst v63  }
0x11: {  	_ =	swait.ge [sflag:s6], $0x4E20  }
0x12: {  	[sflag:s6] =	ssyncset.done $0x0  }
0x13: {  	s10 =	simm.s32 $0x0;
	s9 =	simm.s32 $0x40;
	[sflag:s6] =	ssyncadd.s32 $0xFFFFB1E0  }
.LBB2_4:
0x14: {  	p0 =	sne.s32 s9, $0x13840;
	v2 =	vld [tilespmem:s10+$0x0];
	_ =	sdelay $0x3  }
.Ltmp1:
0x15: {  	(pc) =	sbr.rel @p0 .LBB2_4-.Ltmp1, $2  }
0x16: {  	_ =	sdelay $0x2  }
0x17: {  	s10 =	sshra.s32 s9, $0x2;
	s9 =	sadd.s32 $0x40, s9;
	[tilespmem:v2+s7+$0x0] =	vst.idx.add.f32.msk $0xffff, v1  }
0x18: {  	v2 =	vld [tilespmem:s10+$0x0];
	_ =	sdelay $0x5  }
0x19: {  	s8 =	sadd.s32 $0x1, s8  }
0x1a: {  	p0 =	sne.s32 s8, s5  }
.Ltmp2:
0x1b: {  	[tilespmem:v2+s7+$0x0] =	vst.idx.add.f32.msk $0xffff, v1;
	(pc) =	sbr.rel @p0 .LBB2_1-.Ltmp2, $4  }
0x1c: {  	[hbm4b:s4+s2] =	stream.linear.scatter [tilespmem:s7], [sflag:$0x1], $0x2710, $0x38;
	[tilespmem:$0x7600] =	vst v63  }
0x1d: {  	_ =	swait.ge [sflag:s6], $0x2710  }
0x1e: {  	[sflag:s6] =	ssyncset.done $0x0  }
0x1f: {  	[sflag:s6] =	ssyncadd.s32 $0xFFFFD8F0  }
0x20: {  	_ =	sfence.sel $0x180000  }
0x21: {  	[bflag:$0x0] =	sbarrier.arrive $0xFFFF  }
0x22: {  	p0 =	sne.s32 s0, $0x0;
	_ =	strace $0x90000047  }
0x23: {  	s0 =	sadd.s32 @!p0 $0x100000, s1;
	[bflag:$0x2] =	sbarrier.arrive $0xFFFF  }
0x24: {  	[sflag:s0] =	ssyncadd.tile.s32 @!p0 $0x1;
	_ =	shalt  }
.Lfunc_end2:
_tile_overlayer_lowered:
.L_overlay_start_2:
0x25: {  	(tag) =	ssettag $0x2  }
0x26: {  	s0 =	rddreg [dreg:$0x0];
	s2 =	stileid.u32  }
0x27: {  	s1 =	rddreg [dreg:$0x1];
	p0 =	sne.s32 s2, $0x0  }
0x28: {  	s3 =	rddreg [dreg:$0x2];
	[bflag:$0x3] =	sbarrier.arrive $0xFFFF;
	s2 =	simm.s32 @!p0 $0x1C01  }
0x29: {  	[timem:s3], [sflag:s2] =	dma.local @!p0 [hbm:s0], s1  }
0x2a: {  	s0 =	simm.s32 @!p0 $0x1  }
0x2b: {  	_ =	swait.ge @!p0 [sflag:s0], s1  }
0x2c: {  	s1 =	ssub.s32 @!p0 $0x0, s1;
	[sflag:s0] =	ssyncset.done @!p0 $0x0  }
0x2d: {  	[sflag:s0] =	ssyncadd.s32 @!p0 s1  }
0x2e: {  	[bflag:$0x3] =	sbarrier.arrive $0xFFFF  }
0x2f: {  	_ =	shalt  }

</sc_bundles>
